<compile_context>
chip_gen: v7x
topology: tpu7x:2x2x1
jax: 0.10.2.dev20260603
libtpu: 0.0.44.dev20260713+nightly
codegen_flags: <defaults>
</compile_context>

<pallas_src>
import functools

import jax
import jax.numpy as jnp
from jax import lax
from jax.experimental import pallas as pl
from jax.experimental.pallas import tpu as pltpu
from jax.experimental.pallas import tpu_sc as plsc

N_E = 1024
E_DIM = 256
BETA = 0.25
SIGMA = 0.1

TOK_BLK = 1024


def _dist_body(zb_ref, emb_ref, idx_ref, minv_ref, sumd_ref, acc_ref):
    i = pl.program_id(0)
    z = zb_ref[0]
    e = emb_ref[...]
    zsq = jnp.sum(z * z, axis=0)
    esq = jnp.sum(e * e, axis=1)
    prod2 = lax.dot_general(e + e, z, (((1,), (0,)), ((), ())),
                            preferred_element_type=jnp.float32)
    d = (esq[:, None] + zsq[None, :]) - prod2
    minv = jnp.min(d, axis=0)
    row = lax.broadcasted_iota(jnp.int32, (N_E, TOK_BLK), 0)
    idx = jnp.min(jnp.where(d == minv[None, :], row, N_E), axis=0)
    for k in range(TOK_BLK // 128):
        idx_ref[i, k, :] = lax.slice(idx, (k * 128,), ((k + 1) * 128,))
    minv_ref[i, :] = minv

    @pl.when(i == 0)
    def _():
        acc_ref[0] = 0.0

    acc_ref[0] += jnp.sum(minv)

    @pl.when(i == pl.num_programs(0) - 1)
    def _():
        sumd_ref[0, 0] = acc_ref[0]


def _tc_distance_call(zb, emb_w):
    grid = zb.shape[0]
    return pl.pallas_call(
        _dist_body,
        grid=(grid,),
        in_specs=[
            pl.BlockSpec((1, E_DIM, TOK_BLK), lambda i: (i, 0, 0)),
            pl.BlockSpec((N_E, E_DIM), lambda i: (0, 0)),
        ],
        out_specs=[
            pl.BlockSpec((grid, TOK_BLK // 128, 128), lambda i: (0, 0, 0)),
            pl.BlockSpec((grid, TOK_BLK), lambda i: (0, 0)),
            pl.BlockSpec(memory_space=pltpu.SMEM),
        ],
        out_shape=[
            jax.ShapeDtypeStruct((grid, TOK_BLK // 128, 128), jnp.int32),
            jax.ShapeDtypeStruct((grid, TOK_BLK), jnp.float32),
            jax.ShapeDtypeStruct((1, 1), jnp.float32),
        ],
        scratch_shapes=[pltpu.SMEM((1,), jnp.float32)],
    )(zb, emb_w)


def _fanout_body(zq_ref, zqt_ref, zf1_ref):
    x = zq_ref[...]
    xt = jnp.transpose(x, (1, 0))
    zqt_ref[0] = xt
    zf1_ref[0] = xt.reshape(TOK_BLK, E_DIM)


def _tc_fanout_call(zq_tok, nb):
    return pl.pallas_call(
        _fanout_body,
        grid=(nb,),
        in_specs=[pl.BlockSpec((TOK_BLK, E_DIM), lambda i: (i, 0))],
        out_specs=[
            pl.BlockSpec((1, E_DIM, TOK_BLK), lambda i: (i, 0, 0)),
            pl.BlockSpec((1, TOK_BLK, E_DIM), lambda i: (i, 0, 0)),
        ],
        out_shape=[
            jax.ShapeDtypeStruct((nb, E_DIM, TOK_BLK), jnp.float32),
            jax.ShapeDtypeStruct((nb, TOK_BLK, E_DIM), jnp.float32),
        ],
    )(zq_tok)


def _codebook_body(n_els, emb_ref, minv_ref, sumd_ref, tmin_ref, cbv_ref,
                   dist_ref, loss_ref):
    e = emb_ref[...]
    esq = jnp.sum(e * e, axis=1)
    p2 = lax.dot_general(e + e, e, (((1,), (1,)), ((), ())),
                         preferred_element_type=jnp.float32)
    d1 = (esq[:, None] + esq[None, :]) - p2
    m1 = jnp.min(d1, axis=0)
    row = lax.broadcasted_iota(jnp.int32, (N_E, N_E), 0)
    am = jnp.min(jnp.where(d1 == m1[None, :], row, N_E), axis=0)
    d1x = jnp.where(row == am[None, :], jnp.float32(jnp.inf), d1)
    m2 = jnp.min(d1x, axis=0)
    tot = jnp.sum(m2)
    mean = tot / N_E
    var = jnp.sum((m2 - mean) ** 2) / (N_E - 1)
    tmin_ref[0, 0] = tot
    cbv_ref[0, 0] = jnp.sqrt(var)
    mv = minv_ref[...]
    nw = dist_ref.shape[1]
    tio = lax.broadcasted_iota(jnp.int32, (TOK_BLK, nw), 0)
    wio = lax.broadcasted_iota(jnp.int32, (TOK_BLK, nw), 1)
    sel = jnp.where(jnp.bitwise_and(tio, nw - 1) == wio,
                    jnp.float32(1.0), jnp.float32(0.0))
    hsum = lax.dot_general(mv * mv, sel, (((1,), (0,)), ((), ())),
                           preferred_element_type=jnp.float32)
    nh = TOK_BLK // nw
    dist_ref[...] = jnp.exp(-(hsum / nh) / (2.0 * SIGMA ** 2))
    loss_ref[0, 0] = (1.0 + BETA) * (sumd_ref[0, 0] / n_els) - tot


def _tc_codebook_call(emb_w, minv_b, sumd):
    nb = minv_b.shape[0]
    n_els = nb * TOK_BLK * E_DIM
    return pl.pallas_call(
        functools.partial(_codebook_body, float(n_els)),
        in_specs=[
            pl.BlockSpec((N_E, E_DIM), lambda: (0, 0)),
            pl.BlockSpec((nb, TOK_BLK), lambda: (0, 0)),
            pl.BlockSpec(memory_space=pltpu.SMEM),
        ],
        out_specs=[
            pl.BlockSpec(memory_space=pltpu.SMEM),
            pl.BlockSpec(memory_space=pltpu.SMEM),
            pl.BlockSpec((nb, 32), lambda: (0, 0)),
            pl.BlockSpec(memory_space=pltpu.SMEM),
        ],
        out_shape=[
            jax.ShapeDtypeStruct((1, 1), jnp.float32),
            jax.ShapeDtypeStruct((1, 1), jnp.float32),
            jax.ShapeDtypeStruct((nb, 32), jnp.float32),
            jax.ShapeDtypeStruct((1, 1), jnp.float32),
        ],
    )(emb_w, minv_b, sumd)


def _sc_gather(emb_w, idx2d):
    info = plsc.get_sparse_core_info()
    nc, ns = info.num_cores, info.num_subcores
    nw = nc * ns
    n_idx_rows = idx2d.shape[0]
    rows_per_w = n_idx_rows // nw
    b_per_w = rows_per_w * 128
    n_tok = n_idx_rows * 128
    mesh = plsc.VectorSubcoreMesh(core_axis_name="c", subcore_axis_name="s")

    @functools.partial(
        pl.kernel,
        out_type=jax.ShapeDtypeStruct((n_tok, E_DIM), jnp.float32),
        mesh=mesh,
        scratch_types=[
            pltpu.VMEM((rows_per_w, 128), jnp.int32),
            pltpu.VMEM((b_per_w, E_DIM), jnp.float32),
            pltpu.SemaphoreType.DMA,
        ],
    )
    def gather_kernel(emb_hbm, idx_hbm, out_hbm, idx_v, rows_v, sem):
        wid = lax.axis_index("s") * nc + lax.axis_index("c")
        pltpu.sync_copy(idx_hbm.at[pl.ds(wid * rows_per_w, rows_per_w)], idx_v)
        copies = []
        for j in range(rows_per_w):
            copies.append(pltpu.async_copy(
                emb_hbm.at[idx_v.at[j]],
                rows_v.at[pl.ds(j * 128, 128)],
                sem,
            ))
        for cp in copies:
            cp.wait()
        pltpu.sync_copy(rows_v, out_hbm.at[pl.ds(wid * b_per_w, b_per_w)])

    return gather_kernel(emb_w, idx2d)


def kernel(z, emb_w):
    b, c, h, w = z.shape
    zb = z.reshape(b, c, h * w)
    n_tok = b * h * w

    idx_b3, minv_b, sumd = _tc_distance_call(zb, emb_w)
    zq_tok = _sc_gather(emb_w, idx_b3.reshape(-1, 128))
    tmin, cbv, dist, loss = _tc_codebook_call(emb_w, minv_b, sumd)
    idx_flat = idx_b3.reshape(n_tok)
    zqt, z_flattened1 = _tc_fanout_call(zq_tok, b)

    z_q = zqt.reshape(b, c, h, w)
    return (z_q, loss[0, 0], dist,
            (None, None, idx_flat),
            z_flattened1, cbv[0, 0], tmin[0, 0])

# --- scband reference (transcript-rebuilt; emitter-appended) ---
"""Pipeline reference for scband-vector-quantizer2-d-9964324126962 (READ-ONLY COPY).

The authoritative reference and input builder live on the scoring server;
editing this copy changes nothing except your own understanding.
"""

import jax, jax.numpy as jnp
import numpy as np

N_E = 1024
E_DIM = 256
BETA = 0.25
SIGMA = 0.1

def setup_inputs(seed: int = 0):
    key = jax.random.key(seed)
    k1, k2 = jax.random.split(key)
    z = jax.random.normal(k1, (8, 256, 32, 32), dtype=jnp.float32)
    emb_w = jax.random.uniform(k2, (N_E, E_DIM), minval=-1.0 / N_E, maxval=1.0 / N_E, dtype=jnp.float32)
    return {"z": z, "emb_w": emb_w}

def reference(z, emb_w):
    b, c, h, w = z.shape
    # b c h w -> b h w c
    z = jnp.transpose(z, (0, 2, 3, 1))
    z_flattened = z.reshape(-1, E_DIM)
    # pairwise distances tokens <-> codebook
    d = (jnp.sum(z_flattened ** 2, axis=1, keepdims=True)
         + jnp.sum(emb_w ** 2, axis=1)
         - 2.0 * (z_flattened @ emb_w.T))
    # codebook <-> codebook distances
    d1 = (jnp.sum(emb_w ** 2, axis=1, keepdims=True)
          + jnp.sum(emb_w ** 2, axis=1)
          - 2.0 * (emb_w @ emb_w.T))
    # torch.kthvalue(d1, 2, 0): 2nd smallest along dim 0
    min_distance_vals = jnp.sort(d1, axis=0)[1]
    total_min_distance = jnp.sum(min_distance_vals)
    codebookvariance = jnp.std(min_distance_vals, ddof=1)  # torch.std is unbiased
    min_encoding_indices = jnp.argmin(d, axis=1)
    distances = d[jnp.arange(d.shape[0]), min_encoding_indices].reshape(b, h, w)
    # rbf: (d**2).mean(1) / (2*sigma^2) * -1, exp
    distances = jnp.exp(-(distances ** 2).mean(axis=1) / (2.0 * SIGMA ** 2))
    z_q = jnp.take(emb_w, min_encoding_indices, axis=0).reshape(z.shape)
    sg = jax.lax.stop_gradient
    # legacy=True branch
    loss = (jnp.mean((sg(z_q) - z) ** 2)
            + BETA * jnp.mean((z_q - sg(z)) ** 2)
            - total_min_distance)
    # straight-through estimator
    z_q = z + sg(z_q - z)
    # b h w c -> b c h w
    z_q = jnp.transpose(z_q, (0, 3, 1, 2))
    z_flattened1 = z_q.reshape(b, h * w, E_DIM)
    perplexity = None
    min_encodings = None
    return (z_q, loss, distances, (perplexity, min_encodings, min_encoding_indices), z_flattened1, codebookvariance, total_min_distance)

if __name__ == "__main__":
    import jax
    _d = setup_inputs()
    print(jax.jit(kernel)(*tuple(_d.values())))

</pallas_src>

<mosaic_0001>
#map = affine_map<(d0, d1) -> (0, 0)>
module attributes {stable_mosaic.version = 14 : i64} {
  func.func @gather_kernel(%arg0: i32, %arg1: i32, %arg2: memref<1024x256xf32, #tpu.memory_space<hbm>>, %arg3: memref<64x128xi32, #tpu.memory_space<hbm>>, %arg4: memref<8192x256xf32, #tpu.memory_space<hbm>>, %arg5: memref<2x128xi32, #tpu.memory_space<vmem>>, %arg6: memref<256x256xf32, #tpu.memory_space<vmem>>, %arg7: memref<!tpu.dma_semaphore, #tpu.memory_space<semaphore_mem>>) attributes {dimension_semantics = [#tpu.dimension_semantics<core_parallel>, #tpu.dimension_semantics<subcore_parallel>], iteration_bounds = array<i64: 2, 16>, scalar_prefetch = 0 : i64, scratch_operands = 3 : i64, tpu.core_type = #tpu.core_type<sc_vector_subcore>, window_params = [{transform_indices = #map}, {transform_indices = #map}, {transform_indices = #map}]} {
    %mul3A = arith.constant 2 : i32
    %mul3A_0 = arith.muli %arg1, %mul3A : i32
    %add3A = arith.addi %mul3A_0, %arg0 : i32
    %mul3A_1 = arith.constant 2 : i32
    %mul3A_2 = arith.muli %add3A, %mul3A_1 : i32
    "tpu.region"() ({
      %run_scoped3A = tpu.sem_alloc : memref<!tpu.dma_semaphore, #tpu.memory_space<semaphore_mem>>
      %dma_start3A_43 = arith.constant 0 : i32
      %dma_start3A_44 = tpu.memref_slice %arg3[%mul3A_2, %dma_start3A_43] : memref<64x128xi32, #tpu.memory_space<hbm>> -> memref<2x128xi32, #tpu.memory_space<hbm>>
      %dma_start3A_45 = arith.constant 0 : i32
      %dma_start3A_46 = tpu.memref_slice %arg3[%mul3A_2, %dma_start3A_45] : memref<64x128xi32, #tpu.memory_space<hbm>> -> memref<2x128xi32, #tpu.memory_space<hbm>>
      tpu.enqueue_dma source(%dma_start3A_46 : memref<2x128xi32, #tpu.memory_space<hbm>>) target(%arg5 : memref<2x128xi32, #tpu.memory_space<vmem>>) target_semaphore(%run_scoped3A : memref<!tpu.dma_semaphore, #tpu.memory_space<semaphore_mem>>)
      %dma_wait3A_47 = arith.constant 0 : i32
      %dma_wait3A_48 = tpu.memref_slice %arg3[%mul3A_2, %dma_wait3A_47] : memref<64x128xi32, #tpu.memory_space<hbm>> -> memref<2x128xi32, #tpu.memory_space<hbm>>
      %dma_wait3A_49 = arith.constant 0 : i32
      %dma_wait3A_50 = tpu.memref_slice %arg3[%mul3A_2, %dma_wait3A_49] : memref<64x128xi32, #tpu.memory_space<hbm>> -> memref<2x128xi32, #tpu.memory_space<hbm>>
      tpu.wait_dma2 semaphore(%run_scoped3A : memref<!tpu.dma_semaphore, #tpu.memory_space<semaphore_mem>>) src(%dma_wait3A_50 : memref<2x128xi32, #tpu.memory_space<hbm>>) dst(%arg5 : memref<2x128xi32, #tpu.memory_space<vmem>>)
      tpu.yield
    }) : () -> ()
    %dma_start3A = arith.constant 0 : i32
    %dma_start3A_3 = arith.constant 0 : i32
    %dma_start3A_4 = arith.constant 0 : i32
    %dma_start3A_5 = tpu.memref_slice %arg6[%dma_start3A_3, %dma_start3A_4] : memref<256x256xf32, #tpu.memory_space<vmem>> -> memref<128x256xf32, #tpu.memory_space<vmem>>
    %dma_start3A_6 = arith.constant 0 : i32
    %dma_start3A_7 = tpu.memref_slice %arg5[%dma_start3A, %dma_start3A_6] : memref<2x128xi32, #tpu.memory_space<vmem>> -> memref<1x128xi32, #tpu.memory_space<vmem>>
    %dma_start3A_8 = tpu.memref_squeeze %dma_start3A_7 : memref<1x128xi32, #tpu.memory_space<vmem>> -> memref<128xi32, #tpu.memory_space<vmem>>
    %dma_start3A_9 = arith.constant 0 : i32
    %dma_start3A_10 = arith.constant 0 : i32
    %dma_start3A_11 = tpu.memref_slice %arg2[%dma_start3A_9, %dma_start3A_10] : memref<1024x256xf32, #tpu.memory_space<hbm>> -> memref<1024x256xf32, #tpu.memory_space<hbm>>
    tpu.enqueue_indirect_dma source(%dma_start3A_11 : memref<1024x256xf32, #tpu.memory_space<hbm>>) target(%dma_start3A_5 : memref<128x256xf32, #tpu.memory_space<vmem>>) offsets(%dma_start3A_8 : memref<128xi32, #tpu.memory_space<vmem>>) semaphore(%arg7 : memref<!tpu.dma_semaphore, #tpu.memory_space<semaphore_mem>>)
    %dma_start3A_12 = arith.constant 1 : i32
    %dma_start3A_13 = arith.constant 128 : i32
    %dma_start3A_14 = arith.constant 0 : i32
    %dma_start3A_15 = tpu.memref_slice %arg6[%dma_start3A_13, %dma_start3A_14] : memref<256x256xf32, #tpu.memory_space<vmem>> -> memref<128x256xf32, #tpu.memory_space<vmem>>
    %dma_start3A_16 = arith.constant 0 : i32
    %dma_start3A_17 = tpu.memref_slice %arg5[%dma_start3A_12, %dma_start3A_16] : memref<2x128xi32, #tpu.memory_space<vmem>> -> memref<1x128xi32, #tpu.memory_space<vmem>>
    %dma_start3A_18 = tpu.memref_squeeze %dma_start3A_17 : memref<1x128xi32, #tpu.memory_space<vmem>> -> memref<128xi32, #tpu.memory_space<vmem>>
    %dma_start3A_19 = arith.constant 0 : i32
    %dma_start3A_20 = arith.constant 0 : i32
    %dma_start3A_21 = tpu.memref_slice %arg2[%dma_start3A_19, %dma_start3A_20] : memref<1024x256xf32, #tpu.memory_space<hbm>> -> memref<1024x256xf32, #tpu.memory_space<hbm>>
    tpu.enqueue_indirect_dma source(%dma_start3A_21 : memref<1024x256xf32, #tpu.memory_space<hbm>>) target(%dma_start3A_15 : memref<128x256xf32, #tpu.memory_space<vmem>>) offsets(%dma_start3A_18 : memref<128xi32, #tpu.memory_space<vmem>>) semaphore(%arg7 : memref<!tpu.dma_semaphore, #tpu.memory_space<semaphore_mem>>)
    %dma_wait3A = arith.constant 0 : i32
    %dma_wait3A_22 = arith.constant 0 : i32
    %dma_wait3A_23 = arith.constant 0 : i32
    %dma_wait3A_24 = tpu.memref_slice %arg6[%dma_wait3A_22, %dma_wait3A_23] : memref<256x256xf32, #tpu.memory_space<vmem>> -> memref<128x256xf32, #tpu.memory_space<vmem>>
    %dma_wait3A_25 = arith.constant 0 : i32
    %dma_wait3A_26 = tpu.memref_slice %arg5[%dma_wait3A, %dma_wait3A_25] : memref<2x128xi32, #tpu.memory_space<vmem>> -> memref<1x128xi32, #tpu.memory_space<vmem>>
    %dma_wait3A_27 = tpu.memref_squeeze %dma_wait3A_26 : memref<1x128xi32, #tpu.memory_space<vmem>> -> memref<128xi32, #tpu.memory_space<vmem>>
    %dma_wait3A_28 = arith.constant 0 : i32
    %dma_wait3A_29 = arith.constant 0 : i32
    %dma_wait3A_30 = tpu.memref_slice %arg2[%dma_wait3A_28, %dma_wait3A_29] : memref<1024x256xf32, #tpu.memory_space<hbm>> -> memref<1024x256xf32, #tpu.memory_space<hbm>>
    tpu.wait_indirect_dma semaphore(%arg7 : memref<!tpu.dma_semaphore, #tpu.memory_space<semaphore_mem>>) src(%dma_wait3A_30 : memref<1024x256xf32, #tpu.memory_space<hbm>>) dst(%dma_wait3A_24 : memref<128x256xf32, #tpu.memory_space<vmem>>)
    %dma_wait3A_31 = arith.constant 1 : i32
    %dma_wait3A_32 = arith.constant 128 : i32
    %dma_wait3A_33 = arith.constant 0 : i32
    %dma_wait3A_34 = tpu.memref_slice %arg6[%dma_wait3A_32, %dma_wait3A_33] : memref<256x256xf32, #tpu.memory_space<vmem>> -> memref<128x256xf32, #tpu.memory_space<vmem>>
    %dma_wait3A_35 = arith.constant 0 : i32
    %dma_wait3A_36 = tpu.memref_slice %arg5[%dma_wait3A_31, %dma_wait3A_35] : memref<2x128xi32, #tpu.memory_space<vmem>> -> memref<1x128xi32, #tpu.memory_space<vmem>>
    %dma_wait3A_37 = tpu.memref_squeeze %dma_wait3A_36 : memref<1x128xi32, #tpu.memory_space<vmem>> -> memref<128xi32, #tpu.memory_space<vmem>>
    %dma_wait3A_38 = arith.constant 0 : i32
    %dma_wait3A_39 = arith.constant 0 : i32
    %dma_wait3A_40 = tpu.memref_slice %arg2[%dma_wait3A_38, %dma_wait3A_39] : memref<1024x256xf32, #tpu.memory_space<hbm>> -> memref<1024x256xf32, #tpu.memory_space<hbm>>
    tpu.wait_indirect_dma semaphore(%arg7 : memref<!tpu.dma_semaphore, #tpu.memory_space<semaphore_mem>>) src(%dma_wait3A_40 : memref<1024x256xf32, #tpu.memory_space<hbm>>) dst(%dma_wait3A_34 : memref<128x256xf32, #tpu.memory_space<vmem>>)
    %mul3A_41 = arith.constant 256 : i32
    %mul3A_42 = arith.muli %add3A, %mul3A_41 : i32
    "tpu.region"() ({
      %run_scoped3A = tpu.sem_alloc : memref<!tpu.dma_semaphore, #tpu.memory_space<semaphore_mem>>
      %dma_start3A_43 = arith.constant 0 : i32
      %dma_start3A_44 = tpu.memref_slice %arg4[%mul3A_42, %dma_start3A_43] : memref<8192x256xf32, #tpu.memory_space<hbm>> -> memref<256x256xf32, #tpu.memory_space<hbm>>
      %dma_start3A_45 = arith.constant 0 : i32
      %dma_start3A_46 = tpu.memref_slice %arg4[%mul3A_42, %dma_start3A_45] : memref<8192x256xf32, #tpu.memory_space<hbm>> -> memref<256x256xf32, #tpu.memory_space<hbm>>
      tpu.enqueue_dma source(%arg6 : memref<256x256xf32, #tpu.memory_space<vmem>>) target(%dma_start3A_46 : memref<256x256xf32, #tpu.memory_space<hbm>>) target_semaphore(%run_scoped3A : memref<!tpu.dma_semaphore, #tpu.memory_space<semaphore_mem>>)
      %dma_wait3A_47 = arith.constant 0 : i32
      %dma_wait3A_48 = tpu.memref_slice %arg4[%mul3A_42, %dma_wait3A_47] : memref<8192x256xf32, #tpu.memory_space<hbm>> -> memref<256x256xf32, #tpu.memory_space<hbm>>
      %dma_wait3A_49 = arith.constant 0 : i32
      %dma_wait3A_50 = tpu.memref_slice %arg4[%mul3A_42, %dma_wait3A_49] : memref<8192x256xf32, #tpu.memory_space<hbm>> -> memref<256x256xf32, #tpu.memory_space<hbm>>
      tpu.wait_dma2 semaphore(%run_scoped3A : memref<!tpu.dma_semaphore, #tpu.memory_space<semaphore_mem>>) src(%arg6 : memref<256x256xf32, #tpu.memory_space<vmem>>) dst(%dma_wait3A_50 : memref<256x256xf32, #tpu.memory_space<hbm>>)
      tpu.yield
    }) : () -> ()
    return
  }
}

module attributes {stable_mosaic.version = 14 : i64} {
  func.func @_dist_body(%arg0: i32, %arg1: memref<1x256x1024xf32, #tpu.memory_space<vmem>>, %arg2: memref<1024x256xf32, #tpu.memory_space<vmem>>, %arg3: memref<8x8x128xi32, #tpu.memory_space<vmem>>, %arg4: memref<8x1024xf32, #tpu.memory_space<vmem>>, %arg5: memref<1x1xf32, #tpu.memory_space<smem>>, %arg6: memref<1xf32, #tpu.memory_space<smem>>) attributes {dimension_semantics = [#tpu.dimension_semantics<arbitrary>], iteration_bounds = array<i64: 8>, scalar_prefetch = 0 : i64, scratch_operands = 1 : i64, tpu.core_type = #tpu.core_type<tc>, window_params = [{transform_indices = @transform_0, window_bounds = array<i64: 1, 256, 1024>}, {pipeline_mode = #tpu.pipeline_mode<synchronous>, transform_indices = @transform_1, window_bounds = array<i64: 1024, 256>}, {pipeline_mode = #tpu.pipeline_mode<synchronous>, transform_indices = @transform_2, window_bounds = array<i64: 8, 8, 128>}, {pipeline_mode = #tpu.pipeline_mode<synchronous>, transform_indices = @transform_3, window_bounds = array<i64: 8, 1024>}, {transform_indices = @transform_4, window_bounds = array<i64: 1, 1>}]} {
    %get3A = arith.constant 0 : index
    %get3A_0 = arith.constant 0 : index
    %get3A_1 = arith.constant 0 : index
    %get3A_2 = vector.load %arg1[%get3A, %get3A_0, %get3A_1] : memref<1x256x1024xf32, #tpu.memory_space<vmem>>, vector<1x256x1024xf32>
    %get3A_3 = vector.shape_cast %get3A_2 : vector<1x256x1024xf32> to vector<256x1024xf32>
    %get3A_4 = arith.constant 0 : index
    %get3A_5 = arith.constant 0 : index
    %get3A_6 = vector.load %arg2[%get3A_4, %get3A_5] : memref<1024x256xf32, #tpu.memory_space<vmem>>, vector<1024x256xf32>
    %mul3A = arith.mulf %get3A_3, %get3A_3 : vector<256x1024xf32>
    %reduce_sum3A = arith.constant dense<0.000000e+00> : vector<1024xf32>
    %reduce_sum3A_7 = vector.multi_reduction <add>, %mul3A, %reduce_sum3A [0] : vector<256x1024xf32> to vector<1024xf32>
    %mul3A_8 = arith.mulf %get3A_6, %get3A_6 : vector<1024x256xf32>
    %reduce_sum3A_9 = arith.constant dense<0.000000e+00> : vector<1024xf32>
    %reduce_sum3A_10 = vector.multi_reduction <add>, %mul3A_8, %reduce_sum3A_9 [1] : vector<1024x256xf32> to vector<1024xf32>
    %add3A = arith.addf %get3A_6, %get3A_6 : vector<1024x256xf32>
    %dot_general3A = arith.constant dense<0.000000e+00> : vector<1024x1024xf32>
    %dot_general3A_11 = tpu.matmul %add3A, %get3A_3, %dot_general3A {dimension_numbers = #tpu.dot_dimension_numbers<[1], [0], [0], [1], [0, 0, 1, 1], [], []>, transpose_lhs_hint = false} : vector<1024x256xf32>, vector<256x1024xf32>, vector<1024x1024xf32> -> vector<1024x1024xf32>
    %broadcast_in_dim3A = vector.shape_cast %reduce_sum3A_10 : vector<1024xf32> to vector<1024x1xf32>
    %broadcast_in_dim3A_12 = vector.shape_cast %reduce_sum3A_7 : vector<1024xf32> to vector<1x1024xf32>
    %add3A_13 = vector.broadcast %broadcast_in_dim3A : vector<1024x1xf32> to vector<1024x1024xf32>
    %add3A_14 = vector.broadcast %broadcast_in_dim3A_12 : vector<1x1024xf32> to vector<1024x1024xf32>
    %add3A_15 = arith.addf %add3A_13, %add3A_14 : vector<1024x1024xf32>
    %sub3A = arith.subf %add3A_15, %dot_general3A_11 : vector<1024x1024xf32>
    %reduce_min3A = arith.constant dense<0x7F800000> : vector<1024xf32>
    %reduce_min3A_16 = vector.multi_reduction <minimumf>, %sub3A, %reduce_min3A [0] : vector<1024x1024xf32> to vector<1024xf32>
    %iota3A = tpu.iota {dimensions = array<i32: 0>} : vector<1024x1024xi32>
    %broadcast_in_dim3A_17 = vector.shape_cast %reduce_min3A_16 : vector<1024xf32> to vector<1x1024xf32>
    %eq3A = vector.broadcast %broadcast_in_dim3A_17 : vector<1x1024xf32> to vector<1024x1024xf32>
    %eq3A_18 = arith.cmpf oeq, %sub3A, %eq3A : vector<1024x1024xf32>
    %jit3A = arith.constant 1024 : i32
    %broadcast_in_dim3A_19 = vector.broadcast %jit3A : i32 to vector<1024x1024xi32>
    %select_n3A = arith.select %eq3A_18, %iota3A, %broadcast_in_dim3A_19 : vector<1024x1024xi1>, vector<1024x1024xi32>
    %reduce_min3A_20 = arith.constant dense<2147483647> : vector<1024xi32>
    %reduce_min3A_21 = vector.multi_reduction <minsi>, %select_n3A, %reduce_min3A_20 [0] : vector<1024x1024xi32> to vector<1024xi32>
    %slice3A = vector.extract_strided_slice %reduce_min3A_21 {offsets = [0], sizes = [128], strides = [1]} : vector<1024xi32> to vector<128xi32>
    %swap3A = arith.index_cast %arg0 : i32 to index
    %swap3A_22 = arith.constant 0 : index
    %swap3A_23 = arith.constant 0 : index
    %swap3A_24 = vector.load %arg3[%swap3A, %swap3A_22, %swap3A_23] : memref<8x8x128xi32, #tpu.memory_space<vmem>>, vector<1x1x128xi32>
    %swap3A_25 = vector.shape_cast %swap3A_24 : vector<1x1x128xi32> to vector<128xi32>
    %swap3A_26 = vector.shape_cast %slice3A : vector<128xi32> to vector<1x1x128xi32>
    tpu.vector_store %arg3[%swap3A, %swap3A_22, %swap3A_23], %swap3A_26 {strides = array<i32>} : memref<8x8x128xi32, #tpu.memory_space<vmem>>, vector<1x1x128xi32>,
    %slice3A_27 = vector.extract_strided_slice %reduce_min3A_21 {offsets = [128], sizes = [128], strides = [1]} : vector<1024xi32> to vector<128xi32>
    %swap3A_28 = arith.index_cast %arg0 : i32 to index
    %swap3A_29 = arith.constant 1 : index
    %swap3A_30 = arith.constant 0 : index
    %swap3A_31 = vector.load %arg3[%swap3A_28, %swap3A_29, %swap3A_30] : memref<8x8x128xi32, #tpu.memory_space<vmem>>, vector<1x1x128xi32>
    %swap3A_32 = vector.shape_cast %swap3A_31 : vector<1x1x128xi32> to vector<128xi32>
    %swap3A_33 = vector.shape_cast %slice3A_27 : vector<128xi32> to vector<1x1x128xi32>
    tpu.vector_store %arg3[%swap3A_28, %swap3A_29, %swap3A_30], %swap3A_33 {strides = array<i32>} : memref<8x8x128xi32, #tpu.memory_space<vmem>>, vector<1x1x128xi32>,
    %slice3A_34 = vector.extract_strided_slice %reduce_min3A_21 {offsets = [256], sizes = [128], strides = [1]} : vector<1024xi32> to vector<128xi32>
    %swap3A_35 = arith.index_cast %arg0 : i32 to index
    %swap3A_36 = arith.constant 2 : index
    %swap3A_37 = arith.constant 0 : index
    %swap3A_38 = vector.load %arg3[%swap3A_35, %swap3A_36, %swap3A_37] : memref<8x8x128xi32, #tpu.memory_space<vmem>>, vector<1x1x128xi32>
    %swap3A_39 = vector.shape_cast %swap3A_38 : vector<1x1x128xi32> to vector<128xi32>
    %swap3A_40 = vector.shape_cast %slice3A_34 : vector<128xi32> to vector<1x1x128xi32>
    tpu.vector_store %arg3[%swap3A_35, %swap3A_36, %swap3A_37], %swap3A_40 {strides = array<i32>} : memref<8x8x128xi32, #tpu.memory_space<vmem>>, vector<1x1x128xi32>,
    %slice3A_41 = vector.extract_strided_slice %reduce_min3A_21 {offsets = [384], sizes = [128], strides = [1]} : vector<1024xi32> to vector<128xi32>
    %swap3A_42 = arith.index_cast %arg0 : i32 to index
    %swap3A_43 = arith.constant 3 : index
    %swap3A_44 = arith.constant 0 : index
    %swap3A_45 = vector.load %arg3[%swap3A_42, %swap3A_43, %swap3A_44] : memref<8x8x128xi32, #tpu.memory_space<vmem>>, vector<1x1x128xi32>
    %swap3A_46 = vector.shape_cast %swap3A_45 : vector<1x1x128xi32> to vector<128xi32>
    %swap3A_47 = vector.shape_cast %slice3A_41 : vector<128xi32> to vector<1x1x128xi32>
    tpu.vector_store %arg3[%swap3A_42, %swap3A_43, %swap3A_44], %swap3A_47 {strides = array<i32>} : memref<8x8x128xi32, #tpu.memory_space<vmem>>, vector<1x1x128xi32>,
    %slice3A_48 = vector.extract_strided_slice %reduce_min3A_21 {offsets = [512], sizes = [128], strides = [1]} : vector<1024xi32> to vector<128xi32>
    %swap3A_49 = arith.index_cast %arg0 : i32 to index
    %swap3A_50 = arith.constant 4 : index
    %swap3A_51 = arith.constant 0 : index
    %swap3A_52 = vector.load %arg3[%swap3A_49, %swap3A_50, %swap3A_51] : memref<8x8x128xi32, #tpu.memory_space<vmem>>, vector<1x1x128xi32>
    %swap3A_53 = vector.shape_cast %swap3A_52 : vector<1x1x128xi32> to vector<128xi32>
    %swap3A_54 = vector.shape_cast %slice3A_48 : vector<128xi32> to vector<1x1x128xi32>
    tpu.vector_store %arg3[%swap3A_49, %swap3A_50, %swap3A_51], %swap3A_54 {strides = array<i32>} : memref<8x8x128xi32, #tpu.memory_space<vmem>>, vector<1x1x128xi32>,
    %slice3A_55 = vector.extract_strided_slice %reduce_min3A_21 {offsets = [640], sizes = [128], strides = [1]} : vector<1024xi32> to vector<128xi32>
    %swap3A_56 = arith.index_cast %arg0 : i32 to index
    %swap3A_57 = arith.constant 5 : index
    %swap3A_58 = arith.constant 0 : index
    %swap3A_59 = vector.load %arg3[%swap3A_56, %swap3A_57, %swap3A_58] : memref<8x8x128xi32, #tpu.memory_space<vmem>>, vector<1x1x128xi32>
    %swap3A_60 = vector.shape_cast %swap3A_59 : vector<1x1x128xi32> to vector<128xi32>
    %swap3A_61 = vector.shape_cast %slice3A_55 : vector<128xi32> to vector<1x1x128xi32>
    tpu.vector_store %arg3[%swap3A_56, %swap3A_57, %swap3A_58], %swap3A_61 {strides = array<i32>} : memref<8x8x128xi32, #tpu.memory_space<vmem>>, vector<1x1x128xi32>,
    %slice3A_62 = vector.extract_strided_slice %reduce_min3A_21 {offsets = [768], sizes = [128], strides = [1]} : vector<1024xi32> to vector<128xi32>
    %swap3A_63 = arith.index_cast %arg0 : i32 to index
    %swap3A_64 = arith.constant 6 : index
    %swap3A_65 = arith.constant 0 : index
    %swap3A_66 = vector.load %arg3[%swap3A_63, %swap3A_64, %swap3A_65] : memref<8x8x128xi32, #tpu.memory_space<vmem>>, vector<1x1x128xi32>
    %swap3A_67 = vector.shape_cast %swap3A_66 : vector<1x1x128xi32> to vector<128xi32>
    %swap3A_68 = vector.shape_cast %slice3A_62 : vector<128xi32> to vector<1x1x128xi32>
    tpu.vector_store %arg3[%swap3A_63, %swap3A_64, %swap3A_65], %swap3A_68 {strides = array<i32>} : memref<8x8x128xi32, #tpu.memory_space<vmem>>, vector<1x1x128xi32>,
    %slice3A_69 = vector.extract_strided_slice %reduce_min3A_21 {offsets = [896], sizes = [128], strides = [1]} : vector<1024xi32> to vector<128xi32>
    %swap3A_70 = arith.index_cast %arg0 : i32 to index
    %swap3A_71 = arith.constant 7 : index
    %swap3A_72 = arith.constant 0 : index
    %swap3A_73 = vector.load %arg3[%swap3A_70, %swap3A_71, %swap3A_72] : memref<8x8x128xi32, #tpu.memory_space<vmem>>, vector<1x1x128xi32>
    %swap3A_74 = vector.shape_cast %swap3A_73 : vector<1x1x128xi32> to vector<128xi32>
    %swap3A_75 = vector.shape_cast %slice3A_69 : vector<128xi32> to vector<1x1x128xi32>
    tpu.vector_store %arg3[%swap3A_70, %swap3A_71, %swap3A_72], %swap3A_75 {strides = array<i32>} : memref<8x8x128xi32, #tpu.memory_space<vmem>>, vector<1x1x128xi32>,
    %swap3A_76 = arith.index_cast %arg0 : i32 to index
    %swap3A_77 = arith.constant 0 : index
    %swap3A_78 = vector.load %arg4[%swap3A_76, %swap3A_77] : memref<8x1024xf32, #tpu.memory_space<vmem>>, vector<1x1024xf32>
    %swap3A_79 = vector.shape_cast %swap3A_78 : vector<1x1024xf32> to vector<1024xf32>
    %swap3A_80 = vector.shape_cast %reduce_min3A_16 : vector<1024xf32> to vector<1x1024xf32>
    tpu.vector_store %arg4[%swap3A_76, %swap3A_77], %swap3A_80 {strides = array<i32>} : memref<8x1024xf32, #tpu.memory_space<vmem>>, vector<1x1024xf32>,
    %eq3A_81 = arith.constant 0 : i32
    %eq3A_82 = arith.cmpi eq, %arg0, %eq3A_81 : i32
    %convert_element_type3A = arith.extui %eq3A_82 : i1 to i32
    %cond3A = arith.constant 0 : i32
    %cond3A_83 = arith.cmpi ne, %convert_element_type3A, %cond3A : i32
    scf.if %cond3A_83 {
      %swap3A_99 = arith.constant 0.000000e+00 : f32
      %swap3A_100 = arith.constant 0 : index
      %swap3A_101 = memref.load %arg6[%swap3A_100] : memref<1xf32, #tpu.memory_space<smem>>
      memref.store %swap3A_99, %arg6[%swap3A_100] : memref<1xf32, #tpu.memory_space<smem>>
    } else {
    }
    %get3A_84 = arith.constant 0 : index
    %get3A_85 = memref.load %arg6[%get3A_84] : memref<1xf32, #tpu.memory_space<smem>>
    %reduce_sum3A_86 = vector.shape_cast %reduce_min3A_16 : vector<1024xf32> to vector<1x1024xf32>
    %reduce_sum3A_87 = arith.constant dense<0.000000e+00> : vector<1xf32>
    %reduce_sum3A_88 = vector.multi_reduction <add>, %reduce_sum3A_86, %reduce_sum3A_87 [1] : vector<1x1024xf32> to vector<1xf32>
    %reduce_sum3A_89 = vector.shape_cast %reduce_sum3A_88 : vector<1xf32> to vector<1x1xf32>
    %reduce_sum3A_90 = vector.extract %reduce_sum3A_89[0, 0] : f32 from vector<1x1xf32>
    %add3A_91 = arith.addf %get3A_85, %reduce_sum3A_90 : f32
    %swap3A_92 = arith.constant 0 : index
    %swap3A_93 = memref.load %arg6[%swap3A_92] : memref<1xf32, #tpu.memory_space<smem>>
    memref.store %add3A_91, %arg6[%swap3A_92] : memref<1xf32, #tpu.memory_space<smem>>
    %eq3A_94 = arith.constant 7 : i32
    %eq3A_95 = arith.cmpi eq, %arg0, %eq3A_94 : i32
    %convert_element_type3A_96 = arith.extui %eq3A_95 : i1 to i32
    %cond3A_97 = arith.constant 0 : i32
    %cond3A_98 = arith.cmpi ne, %convert_element_type3A_96, %cond3A_97 : i32
    scf.if %cond3A_98 {
      %get3A_99 = arith.constant 0 : index
      %get3A_100 = memref.load %arg6[%get3A_99] : memref<1xf32, #tpu.memory_space<smem>>
      %swap3A_101 = arith.constant 0 : index
      %swap3A_102 = arith.constant 0 : index
      %swap3A_103 = memref.load %arg5[%swap3A_101, %swap3A_102] : memref<1x1xf32, #tpu.memory_space<smem>>
      memref.store %get3A_100, %arg5[%swap3A_101, %swap3A_102] : memref<1x1xf32, #tpu.memory_space<smem>>
    } else {
    }
    return
  }
  func.func @transform_0(%arg0: i32) -> (i32, i32, i32) {
    %c0_i32 = arith.constant 0 : i32
    %c0_i32_0 = arith.constant 0 : i32
    %c0_i32_1 = arith.constant 0 : i32
    return %arg0, %c0_i32, %c0_i32_0 : i32, i32, i32
  }
  func.func @transform_1(%arg0: i32) -> (i32, i32) {
    %c0_i32 = arith.constant 0 : i32
    %c0_i32_0 = arith.constant 0 : i32
    %c0_i32_1 = arith.constant 0 : i32
    return %c0_i32, %c0_i32_0 : i32, i32
  }
  func.func @transform_2(%arg0: i32) -> (i32, i32, i32) {
    %c0_i32 = arith.constant 0 : i32
    %c0_i32_0 = arith.constant 0 : i32
    %c0_i32_1 = arith.constant 0 : i32
    %c0_i32_2 = arith.constant 0 : i32
    return %c0_i32, %c0_i32_0, %c0_i32_1 : i32, i32, i32
  }
  func.func @transform_3(%arg0: i32) -> (i32, i32) {
    %c0_i32 = arith.constant 0 : i32
    %c0_i32_0 = arith.constant 0 : i32
    %c0_i32_1 = arith.constant 0 : i32
    return %c0_i32, %c0_i32_0 : i32, i32
  }
  func.func @transform_4(%arg0: i32) -> (i32, i32) {
    %c0_i32 = arith.constant 0 : i32
    %c0_i32_0 = arith.constant 0 : i32
    %c0_i32_1 = arith.constant 0 : i32
    return %c0_i32, %c0_i32_0 : i32, i32
  }
}

module attributes {stable_mosaic.version = 14 : i64} {
  func.func @_codebook_body(%arg0: memref<1024x256xf32, #tpu.memory_space<vmem>>, %arg1: memref<8x1024xf32, #tpu.memory_space<vmem>>, %arg2: memref<1x1xf32, #tpu.memory_space<smem>>, %arg3: memref<1x1xf32, #tpu.memory_space<smem>>, %arg4: memref<1x1xf32, #tpu.memory_space<smem>>, %arg5: memref<8x32xf32, #tpu.memory_space<vmem>>, %arg6: memref<1x1xf32, #tpu.memory_space<smem>>) attributes {dimension_semantics = [], scalar_prefetch = 0 : i64, scratch_operands = 0 : i64, tpu.core_type = #tpu.core_type<tc>} {
    %get3A = arith.constant 0 : index
    %get3A_0 = arith.constant 0 : index
    %get3A_1 = vector.load %arg0[%get3A, %get3A_0] : memref<1024x256xf32, #tpu.memory_space<vmem>>, vector<1024x256xf32>
    %mul3A = arith.mulf %get3A_1, %get3A_1 : vector<1024x256xf32>
    %reduce_sum3A = arith.constant dense<0.000000e+00> : vector<1024xf32>
    %reduce_sum3A_2 = vector.multi_reduction <add>, %mul3A, %reduce_sum3A [1] : vector<1024x256xf32> to vector<1024xf32>
    %add3A = arith.addf %get3A_1, %get3A_1 : vector<1024x256xf32>
    %dot_general3A = arith.constant dense<0.000000e+00> : vector<1024x1024xf32>
    %dot_general3A_3 = tpu.matmul %add3A, %get3A_1, %dot_general3A {dimension_numbers = #tpu.dot_dimension_numbers<[1], [1], [0], [0], [0, 0, 1, 0], [], []>, transpose_lhs_hint = false} : vector<1024x256xf32>, vector<1024x256xf32>, vector<1024x1024xf32> -> vector<1024x1024xf32>
    %broadcast_in_dim3A = vector.shape_cast %reduce_sum3A_2 : vector<1024xf32> to vector<1024x1xf32>
    %broadcast_in_dim3A_4 = vector.shape_cast %reduce_sum3A_2 : vector<1024xf32> to vector<1x1024xf32>
    %add3A_5 = vector.broadcast %broadcast_in_dim3A : vector<1024x1xf32> to vector<1024x1024xf32>
    %add3A_6 = vector.broadcast %broadcast_in_dim3A_4 : vector<1x1024xf32> to vector<1024x1024xf32>
    %add3A_7 = arith.addf %add3A_5, %add3A_6 : vector<1024x1024xf32>
    %sub3A = arith.subf %add3A_7, %dot_general3A_3 : vector<1024x1024xf32>
    %reduce_min3A = arith.constant dense<0x7F800000> : vector<1024xf32>
    %reduce_min3A_8 = vector.multi_reduction <minimumf>, %sub3A, %reduce_min3A [0] : vector<1024x1024xf32> to vector<1024xf32>
    %iota3A = tpu.iota {dimensions = array<i32: 0>} : vector<1024x1024xi32>
    %broadcast_in_dim3A_9 = vector.shape_cast %reduce_min3A_8 : vector<1024xf32> to vector<1x1024xf32>
    %eq3A = vector.broadcast %broadcast_in_dim3A_9 : vector<1x1024xf32> to vector<1024x1024xf32>
    %eq3A_10 = arith.cmpf oeq, %sub3A, %eq3A : vector<1024x1024xf32>
    %jit3A = arith.constant 1024 : i32
    %broadcast_in_dim3A_11 = vector.broadcast %jit3A : i32 to vector<1024x1024xi32>
    %select_n3A = arith.select %eq3A_10, %iota3A, %broadcast_in_dim3A_11 : vector<1024x1024xi1>, vector<1024x1024xi32>
    %reduce_min3A_12 = arith.constant dense<2147483647> : vector<1024xi32>
    %reduce_min3A_13 = vector.multi_reduction <minsi>, %select_n3A, %reduce_min3A_12 [0] : vector<1024x1024xi32> to vector<1024xi32>
    %broadcast_in_dim3A_14 = vector.shape_cast %reduce_min3A_13 : vector<1024xi32> to vector<1x1024xi32>
    %eq3A_15 = vector.broadcast %broadcast_in_dim3A_14 : vector<1x1024xi32> to vector<1024x1024xi32>
    %eq3A_16 = arith.cmpi eq, %iota3A, %eq3A_15 : vector<1024x1024xi32>
    %jit3A_17 = arith.constant 0x7F800000 : f32
    %broadcast_in_dim3A_18 = vector.broadcast %jit3A_17 : f32 to vector<1024x1024xf32>
    %select_n3A_19 = arith.select %eq3A_16, %broadcast_in_dim3A_18, %sub3A : vector<1024x1024xi1>, vector<1024x1024xf32>
    %reduce_min3A_20 = arith.constant dense<0x7F800000> : vector<1024xf32>
    %reduce_min3A_21 = vector.multi_reduction <minimumf>, %select_n3A_19, %reduce_min3A_20 [0] : vector<1024x1024xf32> to vector<1024xf32>
    %reduce_sum3A_22 = vector.shape_cast %reduce_min3A_21 : vector<1024xf32> to vector<1x1024xf32>
    %reduce_sum3A_23 = arith.constant dense<0.000000e+00> : vector<1xf32>
    %reduce_sum3A_24 = vector.multi_reduction <add>, %reduce_sum3A_22, %reduce_sum3A_23 [1] : vector<1x1024xf32> to vector<1xf32>
    %reduce_sum3A_25 = vector.shape_cast %reduce_sum3A_24 : vector<1xf32> to vector<1x1xf32>
    %reduce_sum3A_26 = vector.extract %reduce_sum3A_25[0, 0] : f32 from vector<1x1xf32>
    %div3A = arith.constant 1.024000e+03 : f32
    %div3A_27 = arith.divf %reduce_sum3A_26, %div3A : f32
    %sub3A_28 = vector.broadcast %div3A_27 : f32 to vector<1024xf32>
    %sub3A_29 = arith.subf %reduce_min3A_21, %sub3A_28 : vector<1024xf32>
    %integer_pow3A = arith.mulf %sub3A_29, %sub3A_29 : vector<1024xf32>
    %reduce_sum3A_30 = vector.shape_cast %integer_pow3A : vector<1024xf32> to vector<1x1024xf32>
    %reduce_sum3A_31 = arith.constant dense<0.000000e+00> : vector<1xf32>
    %reduce_sum3A_32 = vector.multi_reduction <add>, %reduce_sum3A_30, %reduce_sum3A_31 [1] : vector<1x1024xf32> to vector<1xf32>
    %reduce_sum3A_33 = vector.shape_cast %reduce_sum3A_32 : vector<1xf32> to vector<1x1xf32>
    %reduce_sum3A_34 = vector.extract %reduce_sum3A_33[0, 0] : f32 from vector<1x1xf32>
    %div3A_35 = arith.constant 1.023000e+03 : f32
    %div3A_36 = arith.divf %reduce_sum3A_34, %div3A_35 : f32
    %swap3A = arith.constant 0 : index
    %swap3A_37 = arith.constant 0 : index
    %swap3A_38 = memref.load %arg3[%swap3A, %swap3A_37] : memref<1x1xf32, #tpu.memory_space<smem>>
    memref.store %reduce_sum3A_26, %arg3[%swap3A, %swap3A_37] : memref<1x1xf32, #tpu.memory_space<smem>>
    %sqrt3A = math.sqrt %div3A_36 : f32
    %swap3A_39 = arith.constant 0 : index
    %swap3A_40 = arith.constant 0 : index
    %swap3A_41 = memref.load %arg4[%swap3A_39, %swap3A_40] : memref<1x1xf32, #tpu.memory_space<smem>>
    memref.store %sqrt3A, %arg4[%swap3A_39, %swap3A_40] : memref<1x1xf32, #tpu.memory_space<smem>>
    %get3A_42 = arith.constant 0 : index
    %get3A_43 = arith.constant 0 : index
    %get3A_44 = vector.load %arg1[%get3A_42, %get3A_43] : memref<8x1024xf32, #tpu.memory_space<vmem>>, vector<8x1024xf32>
    %iota3A_45 = tpu.iota {dimensions = array<i32: 0>} : vector<1024x32xi32>
    %iota3A_46 = tpu.iota {dimensions = array<i32: 1>} : vector<1024x32xi32>
    %and3A = arith.constant 31 : i32
    %and3A_47 = vector.broadcast %and3A : i32 to vector<1024x32xi32>
    %and3A_48 = arith.andi %iota3A_45, %and3A_47 : vector<1024x32xi32>
    %eq3A_49 = arith.cmpi eq, %and3A_48, %iota3A_46 : vector<1024x32xi32>
    %jit3A_50 = arith.constant 1.000000e+00 : f32
    %jit3A_51 = arith.constant 0.000000e+00 : f32
    %broadcast_in_dim3A_52 = vector.broadcast %jit3A_50 : f32 to vector<1024x32xf32>
    %broadcast_in_dim3A_53 = vector.broadcast %jit3A_51 : f32 to vector<1024x32xf32>
    %select_n3A_54 = arith.select %eq3A_49, %broadcast_in_dim3A_52, %broadcast_in_dim3A_53 : vector<1024x32xi1>, vector<1024x32xf32>
    %mul3A_55 = arith.mulf %get3A_44, %get3A_44 : vector<8x1024xf32>
    %dot_general3A_56 = arith.constant dense<0.000000e+00> : vector<8x32xf32>
    %dot_general3A_57 = tpu.matmul %mul3A_55, %select_n3A_54, %dot_general3A_56 {dimension_numbers = #tpu.dot_dimension_numbers<[1], [0], [0], [1], [0, 0, 1, 1], [], []>, transpose_lhs_hint = false} : vector<8x1024xf32>, vector<1024x32xf32>, vector<8x32xf32> -> vector<8x32xf32>
    %div3A_58 = arith.constant 3.200000e+01 : f32
    %div3A_59 = vector.broadcast %div3A_58 : f32 to vector<8x32xf32>
    %div3A_60 = arith.divf %dot_general3A_57, %div3A_59 : vector<8x32xf32>
    %neg3A = arith.constant 0.000000e+00 : f32
    %neg3A_61 = vector.broadcast %neg3A : f32 to vector<8x32xf32>
    %neg3A_62 = arith.subf %neg3A_61, %div3A_60 : vector<8x32xf32>
    %div3A_63 = arith.constant 2.000000e-02 : f32
    %div3A_64 = vector.broadcast %div3A_63 : f32 to vector<8x32xf32>
    %div3A_65 = arith.divf %neg3A_62, %div3A_64 : vector<8x32xf32>
    %exp3A = math.exp %div3A_65 : vector<8x32xf32>
    %swap3A_66 = arith.constant 0 : index
    %swap3A_67 = arith.constant 0 : index
    %swap3A_68 = vector.load %arg5[%swap3A_66, %swap3A_67] : memref<8x32xf32, #tpu.memory_space<vmem>>, vector<8x32xf32>
    tpu.vector_store %arg5[%swap3A_66, %swap3A_67], %exp3A {strides = array<i32>} : memref<8x32xf32, #tpu.memory_space<vmem>>, vector<8x32xf32>,
    %get3A_69 = arith.constant 0 : index
    %get3A_70 = arith.constant 0 : index
    %get3A_71 = memref.load %arg2[%get3A_69, %get3A_70] : memref<1x1xf32, #tpu.memory_space<smem>>
    %div3A_72 = arith.constant 0x4A000000 : f32
    %div3A_73 = arith.divf %get3A_71, %div3A_72 : f32
    %mul3A_74 = arith.constant 1.250000e+00 : f32
    %mul3A_75 = arith.mulf %mul3A_74, %div3A_73 : f32
    %sub3A_76 = arith.subf %mul3A_75, %reduce_sum3A_26 : f32
    %swap3A_77 = arith.constant 0 : index
    %swap3A_78 = arith.constant 0 : index
    %swap3A_79 = memref.load %arg6[%swap3A_77, %swap3A_78] : memref<1x1xf32, #tpu.memory_space<smem>>
    memref.store %sub3A_76, %arg6[%swap3A_77, %swap3A_78] : memref<1x1xf32, #tpu.memory_space<smem>>
    return
  }
}

module attributes {stable_mosaic.version = 14 : i64} {
  func.func @_fanout_body(%arg0: i32, %arg1: memref<1024x256xf32, #tpu.memory_space<vmem>>, %arg2: memref<1x256x1024xf32, #tpu.memory_space<vmem>>, %arg3: memref<1x1024x256xf32, #tpu.memory_space<vmem>>) attributes {dimension_semantics = [#tpu.dimension_semantics<arbitrary>], iteration_bounds = array<i64: 8>, scalar_prefetch = 0 : i64, scratch_operands = 0 : i64, tpu.core_type = #tpu.core_type<tc>, window_params = [{transform_indices = @transform_0, window_bounds = array<i64: 1024, 256>}, {transform_indices = @transform_1, window_bounds = array<i64: 1, 256, 1024>}, {transform_indices = @transform_2, window_bounds = array<i64: 1, 1024, 256>}]} {
    %get3A = arith.constant 0 : index
    %get3A_0 = arith.constant 0 : index
    %get3A_1 = vector.load %arg1[%get3A, %get3A_0] : memref<1024x256xf32, #tpu.memory_space<vmem>>, vector<1024x256xf32>
    %transpose3A = tpu.transpose %get3A_1, [1, 0] : vector<1024x256xf32> -> vector<256x1024xf32>
    %swap3A = arith.constant 0 : index
    %swap3A_2 = arith.constant 0 : index
    %swap3A_3 = arith.constant 0 : index
    %swap3A_4 = vector.load %arg2[%swap3A, %swap3A_2, %swap3A_3] : memref<1x256x1024xf32, #tpu.memory_space<vmem>>, vector<1x256x1024xf32>
    %swap3A_5 = vector.shape_cast %swap3A_4 : vector<1x256x1024xf32> to vector<256x1024xf32>
    %swap3A_6 = vector.shape_cast %transpose3A : vector<256x1024xf32> to vector<1x256x1024xf32>
    tpu.vector_store %arg2[%swap3A, %swap3A_2, %swap3A_3], %swap3A_6 {strides = array<i32>} : memref<1x256x1024xf32, #tpu.memory_space<vmem>>, vector<1x256x1024xf32>,
    %reshape3A = vector.shape_cast %transpose3A : vector<256x1024xf32> to vector<1024x256xf32>
    %swap3A_7 = arith.constant 0 : index
    %swap3A_8 = arith.constant 0 : index
    %swap3A_9 = arith.constant 0 : index
    %swap3A_10 = vector.load %arg3[%swap3A_7, %swap3A_8, %swap3A_9] : memref<1x1024x256xf32, #tpu.memory_space<vmem>>, vector<1x1024x256xf32>
    %swap3A_11 = vector.shape_cast %swap3A_10 : vector<1x1024x256xf32> to vector<1024x256xf32>
    %swap3A_12 = vector.shape_cast %reshape3A : vector<1024x256xf32> to vector<1x1024x256xf32>
    tpu.vector_store %arg3[%swap3A_7, %swap3A_8, %swap3A_9], %swap3A_12 {strides = array<i32>} : memref<1x1024x256xf32, #tpu.memory_space<vmem>>, vector<1x1024x256xf32>,
    return
  }
  func.func @transform_0(%arg0: i32) -> (i32, i32) {
    %c0_i32 = arith.constant 0 : i32
    %c0_i32_0 = arith.constant 0 : i32
    return %arg0, %c0_i32 : i32, i32
  }
  func.func @transform_1(%arg0: i32) -> (i32, i32, i32) {
    %c0_i32 = arith.constant 0 : i32
    %c0_i32_0 = arith.constant 0 : i32
    %c0_i32_1 = arith.constant 0 : i32
    return %arg0, %c0_i32, %c0_i32_0 : i32, i32, i32
  }
  func.func @transform_2(%arg0: i32) -> (i32, i32, i32) {
    %c0_i32 = arith.constant 0 : i32
    %c0_i32_0 = arith.constant 0 : i32
    %c0_i32_1 = arith.constant 0 : i32
    return %arg0, %c0_i32, %c0_i32_0 : i32, i32, i32
  }
}

</mosaic_0001>

<sc_bundles>
// kernel: kernel.6.cloned.1.call-start
scs
__scs_entry_jumppad:
0x0: {  	(pc) =	sbr.rel $0x88, $3  }
0x1: {  	(tag) =	ssettag $0x0;
	lr =	simm.s32 $0x1  }
0x2: {  	[smem:$0x3F9F] =	sst lr;
	_ =	strace $0xD0000000  }
0x3: {  	_ = 	snop  }
0x4: {  	_ = 	snop  }
0x5: {  	_ = 	snop  }
0x6: {  	_ = 	snop  }
0x7: {  	_ = 	snop  }
__scs_overlays_trampoline_lowered:
0x8: {  	[smem:$0x3FAE] =	sst s0  }
0x9: {  	[smem:$0x3FAF] =	sst s1  }
0xa: {  	[smem:$0x3FB0] =	sst s2  }
0xb: {  	[smem:$0x3FB1] =	sst s3  }
0xc: {  	[smem:$0x3FB2] =	sst s4  }
0xd: {  	[smem:$0x3FB3] =	sst s5  }
0xe: {  	[smem:$0x3FB4] =	sst s6  }
0xf: {  	[smem:$0x3FB5] =	sst s7  }
0x10: {  	[smem:$0x3FB6] =	sst s8  }
0x11: {  	[smem:$0x3FB7] =	sst s9;
	s0 =	simm.s32 @!p0 $0x0  }
0x12: {  	s1 =	sld [smem:$0x3F9D];
	s0 =	simm.s32 @p0 $0x1  }
0x13: {  	[smem:$0x3FB8] =	sst s0;
	s0 =	simm.s32 @!p1 $0x0  }
0x14: {  	s2 =	sld [smem:$0x3F9C];
	s0 =	simm.s32 @p1 $0x1  }
0x15: {  	[smem:$0x3FB9] =	sst s0;
	s0 =	simm.s32 @!p2 $0x0  }
0x16: {  	s3 =	sld [smem:$0x3FDB];
	s0 =	simm.s32 @p2 $0x1  }
0x17: {  	s4 =	simm.s32 $0x1BF5;
	[smem:$0x3FBB] =	sst s0  }
0x18: {  	s0 =	sld [smem:$0x3F9E];
	_ =	swait.ge [sflag:s4], $0x0  }
0x19: {  	s7 =	sld [smem:$0x3F9F]  }
0x1a: {  	s8 =	sadd.s32 $0xFFFFE003, lr  }
0x1b: {  	s9 =	sadd.s32 $0xFFFFFEF7, lr;
	s5 =	simm.s32 $0xFFFFFFFF;
	p2 =	slt.u32 s8, $0xFFFFF086  }
0x1c: {  	p1 =	slt.u32 s9, $0xF7A;
	s5 =	simm.s32 @!p2 $0x0  }
0x1d: {  	s5 =	simm.s32 @p1 $0x1;
	p0 =	seq.s32 s7, s2  }
0x1e: {  	s7 =	smul.u32 @!p0 $0xF7A, s2;
	p2 =	seq.s32 @!p0 s5, $0x0  }
0x1f: {  	s9 =	smul.u32 $0xF7A, s1;
	s8 =	simm.s32 @!p0 $0x1BF5;
	p2 =	por !p2, p0  }
0x20: {  	[sflag:s8] =	ssyncset.s32 @!p0 $0xFFFFF086;
	s6 =	sadd.s32 @!p0 s3, s7;
	s7 =	simm.s32 @!p0 $0x108  }
0x21: {  	s3 =	sadd.s32 s3, s9;
	s6 =	sadd.s32 @!p0 $0x88, s6;
	s7 =	simm.s32 @p2 $0x1082  }
0x22: {  	[simem:s7], [sflag:s8] =	dma.local @!p0 [hbm:s6], $0xF7A  }
0x23: {  	s9 =	sor.u32 $0xD0000000, s2;
	s6 =	simm.s32 $0x108;
	_ =	swait.ge @!p0 [sflag:s8], $0x0  }
0x24: {  	s3 =	sadd.s32 $0x88, s3;
	s6 =	simm.s32 @!p1 $0x1082;
	[sflag:s4] =	ssyncset.s32 $0xFFFFF086  }
0x25: {  	[simem:s6], [sflag:s4] =	dma.local [hbm:s3], $0xF7A  }
0x26: {  	[smem:$0x3F9F] =	sst s1;
	(tag) =	ssettag s2;
	_ =	strace s9  }
0x27: {  	s1 =	sld [smem:$0x3FAF]  }
0x28: {  	s2 =	sld [smem:$0x3FB0]  }
0x29: {  	s4 =	sld [smem:$0x3FB2]  }
0x2a: {  	p0 =	seq.s32 s5, $0x0;
	s5 =	sld [smem:$0x3FB3]  }
0x2b: {  	s6 =	sld [smem:$0x3FB4]  }
0x2c: {  	s7 =	sld [smem:$0x3FB5]  }
0x2d: {  	s3 =	simm.s32 $0x108;
	s8 =	sld [smem:$0x3FB6]  }
0x2e: {  	s3 =	simm.s32 @!p0 $0x1082;
	s9 =	sld [smem:$0x3FB7]  }
0x2f: {  	lr =	sadd.s32 s0, s3;
	s0 =	sld [smem:$0x3FAE]  }
0x30: {  	s3 =	sld [smem:$0x3FB1]  }
0x31: {  	[smem:$0x3FBA] =	sst s10  }
0x32: {  	s10 =	sld [smem:$0x3FB8];
	_ =	sdelay $0x3  }
0x33: {  	p0 =	seq.s32 s10, $0x1;
	s10 =	sld [smem:$0x3FBA];
	_ =	sdelay $0x3  }
0x34: {  	[smem:$0x3FBA] =	sst s10  }
0x35: {  	s10 =	sld [smem:$0x3FB9];
	_ =	sdelay $0x3  }
0x36: {  	p1 =	seq.s32 s10, $0x1;
	s10 =	sld [smem:$0x3FBA];
	_ =	sdelay $0x3  }
0x37: {  	[smem:$0x3FBA] =	sst s10  }
0x38: {  	s10 =	sld [smem:$0x3FBB]  }
0x39: {  	_ = 	snop;
	(pc) =	sbr.ind lr, $3  }
0x3a: {  	_ = 	snop  }
0x3b: {  	_ = 	snop  }
0x3c: {  	p2 =	seq.s32 s10, $0x1;
	s10 =	sld [smem:$0x3FBA]  }
0x3d: {  	_ =	shalt  }
0x3e: {  	_ =	shalt  }
0x3f: {  	_ =	shalt  }
0x40: {  	_ =	shalt  }
0x41: {  	_ =	shalt  }
0x42: {  	_ =	shalt  }
0x43: {  	_ =	shalt  }
0x44: {  	_ =	shalt  }
0x45: {  	_ =	shalt  }
0x46: {  	_ =	shalt  }
0x47: {  	_ =	shalt  }
0x48: {  	_ =	shalt  }
0x49: {  	_ =	shalt  }
0x4a: {  	_ =	shalt  }
0x4b: {  	_ =	shalt  }
0x4c: {  	_ =	shalt  }
0x4d: {  	_ =	shalt  }
0x4e: {  	_ =	shalt  }
0x4f: {  	_ =	shalt  }
0x50: {  	_ =	shalt  }
0x51: {  	_ =	shalt  }
0x52: {  	_ =	shalt  }
0x53: {  	_ =	shalt  }
0x54: {  	_ =	shalt  }
0x55: {  	_ =	shalt  }
0x56: {  	_ =	shalt  }
0x57: {  	_ =	shalt  }
0x58: {  	_ =	shalt  }
0x59: {  	_ =	shalt  }
0x5a: {  	_ =	shalt  }
0x5b: {  	_ =	shalt  }
0x5c: {  	_ =	shalt  }
0x5d: {  	_ =	shalt  }
0x5e: {  	_ =	shalt  }
0x5f: {  	_ =	shalt  }
0x60: {  	_ =	shalt  }
0x61: {  	_ =	shalt  }
0x62: {  	_ =	shalt  }
0x63: {  	_ =	shalt  }
0x64: {  	_ =	shalt  }
0x65: {  	_ =	shalt  }
0x66: {  	_ =	shalt  }
0x67: {  	_ =	shalt  }
0x68: {  	_ =	shalt  }
0x69: {  	_ =	shalt  }
0x6a: {  	_ =	shalt  }
0x6b: {  	_ =	shalt  }
0x6c: {  	_ =	shalt  }
0x6d: {  	_ =	shalt  }
0x6e: {  	_ =	shalt  }
0x6f: {  	_ =	shalt  }
0x70: {  	_ =	shalt  }
0x71: {  	_ =	shalt  }
0x72: {  	_ =	shalt  }
0x73: {  	_ =	shalt  }
0x74: {  	_ =	shalt  }
0x75: {  	_ =	shalt  }
0x76: {  	_ =	shalt  }
0x77: {  	_ =	shalt  }
0x78: {  	_ =	shalt  }
0x79: {  	_ =	shalt  }
0x7a: {  	_ =	shalt  }
0x7b: {  	_ =	shalt  }
0x7c: {  	_ =	shalt  }
0x7d: {  	_ =	shalt  }
0x7e: {  	_ =	shalt  }
0x7f: {  	_ =	shalt  }
0x80: {  	_ =	shalt  }
0x81: {  	_ =	shalt  }
0x82: {  	_ =	shalt  }
0x83: {  	_ =	shalt  }
0x84: {  	_ =	shalt  }
0x85: {  	_ =	shalt  }
0x86: {  	_ =	shalt  }
0x87: {  	_ =	shalt  }
.Lfunc_end0:
.L_simem_size_0:
called_computation_lowered:
.L_overlay_start_0:
0x88: {  	s2 =	sld [smem:$0x3FD9]  }
0x89: {  	s3 =	sld [smem:$0x3FFE];
	_ =	sdelay $0x1  }
0x8a: {  	s1 =	srdreg.scid  }
0x8b: {  	s0 =	sand.u32 $0x1, s1  }
0x8c: {  	s15 =	sshll.u32 s0, $0xA;
	s2 =	sadd.s32 s3, s2  }
0x8d: {  	s2 =	sadd.s32 s2, s15  }
0x8e: {  	[smem:$0x3FC6] =	sst s2  }
0x8f: {  	_ = 	snop  }
0x90: {  	s2 =	sld [smem:$0x3FD0];
	_ =	sdelay $0x2  }
0x91: {  	s4 =	simm.s32 $0xA;
	s5 =	simm.s32 $0x10;
	s16 =	sld [smem:$0x3FC8]  }
0x92: {  	[smem:s5], [sflag:s4] =	dma.local [hbm:s2], $0x1  }
0x93: {  	_ =	swait.eq [sflag:s4], $0x1  }
0x94: {  	[sflag:s4] =	ssyncset.done $0x0  }
0x95: {  	s17 =	sld [smem:$0x10];
	[sflag:s4] =	ssyncadd.s32 $0xFFFFFFFF  }
0x96: {  	s18 =	sld [smem:$0x13];
	(tm) =	ssettm $0x1  }
0x97: {  	s19 =	sld [smem:$0x3FFB];
	_ =	sdelay $0x3  }
0x98: {  	_ =	strace s19  }
0x99: {  	s5 =	sld [smem:$0x3FFC];
	_ =	sdelay $0x3  }
0x9a: {  	_ =	strace s5  }
0x9b: {  	s5 =	sld [smem:$0x3FFD];
	_ =	sdelay $0x3  }
0x9c: {  	_ =	strace s5  }
0x9d: {  	_ =	strace $0x8FFFFFFF  }
0x9e: {  	s20 =	sld [smem:$0x3FDB];
	_ =	sdelay $0x1  }
0x9f: {  	s6 =	simm.s32 $_scs_section_size  }
0xa0: {  	s7 =	simm.s32 $_size__tile_overlayer_lowered;
	s8 =	simm.s32 $_tile_overlayer_lowered  }
0xa1: {  	s23 =	simm.s32 $0x1BFF;
	s22 =	sshll.u32 s8, $0x1;
	s5 =	sadd.s32 s6, s20  }
0xa2: {  	s9 =	simm.s32 $0x0;
	s21 =	sshll.u32 s7, $0x1;
	s7 =	sadd.s32 s22, s5  }
0xa3: {  	[timem:s9], [sflag:s23] =	dma.local [hbm:s7], s21  }
0xa4: {  	_ =	swait.ge [sflag:s23], s21  }
0xa5: {  	s6 =	ssub.s32 $0x0, s21;
	[sflag:s23] =	ssyncset.done $0x0  }
0xa6: {  	[sflag:s23] =	ssyncadd.s32 s6;
	_ =	sdelay $0x1  }
0xa7: {  	s24 =	simm.s32 $0x1B8B  }
0xa8: {  	_ =	swait.ge [sflag:s24], $0x1  }
0xa9: {  	[sflag:s24] =	ssyncset.done $0x0  }
0xaa: {  	s25 =	simm.s32 $0x1B8E;
	[sflag:s24] =	ssyncadd.s32 $0xFFFFFFFF  }
0xab: {  	s26 =	simm.s32 $execute0_lowered;
	[smem:$0x3FD2] =	sst s25  }
0xac: {  	s6 =	sshll.u32 s26, $0x1;
	_ =	strace $0x80000046;
	[dreg:$0x1] =	wrdreg $0xFFFFFFFF  }
0xad: {  	s28 =	simm.s32 $_size_execute0_lowered;
	s5 =	sadd.s32 s5, s6;
	[dreg:$0x0] =	wrdreg $0x0  }
0xae: {  	s6 =	sshll.u32 s28, $0x1;
	[dreg:$0x2] =	wrdreg s5  }
0xaf: {  	[dreg:$0x3] =	wrdreg s6  }
0xb0: {  	[dreg:$0x4] =	wrdreg $0xC0  }
0xb1: {  	_ =	task [dreg:s9], $0x5FFFF  }
0xb2: {  	[dreg:$0x1] =	wrdreg $0xFFFFFFFF  }
0xb3: {  	[dreg:$0x0] =	wrdreg $0x60  }
0xb4: {  	[dreg:$0x2] =	wrdreg s16  }
0xb5: {  	[dreg:$0x3] =	wrdreg s18  }
0xb6: {  	[dreg:$0x4] =	wrdreg s17  }
0xb7: {  	[dreg:$0x5] =	wrdreg $0x9  }
0xb8: {  	_ =	task.clear_ibuf [dreg:s9], $0x6FFFF;
	_ =	strace $0x90000046  }
0xb9: {  	s29 =	simm.s32 $0x9;
	_ =	strace $0x80000048  }
0xba: {  	_ =	swait.ge [sflag:s29], $0x1  }
0xbb: {  	[sflag:s29] =	ssyncadd.s32 $0xFFFFFFFF  }
0xbc: {  	_ =	strace $0x90000048  }
0xbd: {  	_ =	sfence  }
0xbe: {  	s30 =	sld [smem:$0x0];
	_ =	sdelay $0x2  }
0xbf: {  	s31 =	sshll.u32 s1, $0xD;
	s1 =	sshrl.u32 s1, $0x2  }
0xc0: {  	s3 =	sand.u32 $0x4000, s31;
	s1 =	sadd.s32 s1, s30  }
0xc1: {  	s0 =	sor.u32 s3, s0;
	s1 =	sshll.u32 s1, $0x11  }
0xc2: {  	s0 =	sor.u32 s1, s0  }
0xc3: {  	s0 =	sadd.s32 $0x8F2B, s0  }
0xc4: {  	[sflag:s0] =	ssyncadd.remote.s32 $0x1  }
0xc5: {  	_ =	sfence.sel $0xFFFF  }
0xc6: {  	[dreg:$0x0] =	wrdreg $0xFFFFFFFF;
	(pc) =	sbr.abs _section_cstart, $3  }
0xc7: {  	[dreg:$0x1] =	wrdreg $0xFFFFFFFF  }
0xc8: {  	_ =	task.clear_ibuf [dreg:s9], $0x2FFFF;
	_ =	strace $0x9FFFFFFF  }
0xc9: {  	(tm) =	ssettm $0x7FFFFFFF  }
tec
execute0_lowered:
.L_overlay_start_1:
0x0: {  	(tag) =	ssettag $0x1  }
0x1: {  	s1 =	rddreg [dreg:$0x0]  }
0x2: {  	s2 =	rddreg [dreg:$0x1]  }
0x3: {  	s3 =	srdreg.scid;
	s0 =	stileid.u32  }
0x4: {  	s4 =	rddreg [dreg:$0x2];
	s19 =	simm.s32 $0x900;
	s20 =	simm.s32 $0x1100  }
0x5: {  	s22 =	simm.s32 $0x1900;
	s23 =	simm.s32 $0x2100;
	s24 =	simm.s32 $0x2900  }
0x6: {  	s25 =	simm.s32 $0x3100;
	s26 =	simm.s32 $0x3900;
	s8 =	simm.s32 $0x4900  }
0x7: {  	s9 =	simm.s32 $0x5100;
	s10 =	simm.s32 $0x5900;
	s11 =	simm.s32 $0x6100  }
0x8: {  	s12 =	simm.s32 $0x6900;
	s5 =	sand.u32 $0x1, s3;
	s3 =	simm.s32 $0x0  }
0x9: {  	s13 =	simm.s32 $0x7100;
	s14 =	simm.s32 $0x7900;
	[smem:$0x7FF] =	sst s3  }
0xa: {  	s15 =	simm.s32 $0x8100;
	_ =	strace $0x80000047;
	[dreg:$0x6] =	wrdreg s19  }
0xb: {  	s16 =	simm.s32 $0x8900;
	s17 =	simm.s32 $0x9100;
	[dreg:$0x7] =	wrdreg s20  }
0xc: {  	s28 =	simm.s32 $0xE100;
	s29 =	simm.s32 $0xE900;
	[dreg:$0x8] =	wrdreg s22  }
0xd: {  	s30 =	simm.s32 $0xF100;
	s6 =	sshll.u32 s0, $0x1;
	[dreg:$0x9] =	wrdreg s23  }
0xe: {  	s31 =	simm.s32 $0xF900;
	s6 =	sor.u32 s5, s6;
	[dreg:$0xa] =	wrdreg s24  }
0xf: {  	s21 =	ssub.s32 $0x2, s5;
	s7 =	sshll.u32 s6, $0x5;
	[dreg:$0xb] =	wrdreg s25  }
0x10: {  	s6 =	sshll.u32 s6, $0xD;
	s5 =	sshrl.u32 s21, $0x1;
	[dreg:$0xc] =	wrdreg s26  }
0x11: {  	s19 =	simm.s32 $0xA100;
	s20 =	simm.s32 $0xA900;
	s22 =	simm.s32 $0xB900  }
0x12: {  	s23 =	simm.s32 $0xC100;
	s24 =	simm.s32 $0xC900;
	s25 =	simm.s32 $0xD100  }
0x13: {  	s26 =	simm.s32 $0xD900;
	s2 =	sadd.s32 s2, s7;
	s18 =	sadd.s32 s4, s6  }
0x14: {  	v2 =	vlaneseq.u32;
	s4 =	ssub.s32 s21, s5;
	s5 =	simm.s32 $0x2;
	[dreg:$0x4] =	wrdreg s2  }
0x15: {  	vm0 =	vmmov $0xffff;
	v1 =	vshrl.u32 v2, $0x3;
	s6 =	simm.s32 $0x100;
	s21 =	simm.s32 $0xB100;
	[dreg:$0x5] =	wrdreg s18  }
0x16: {  	v0 =	vand.u32 $0x7, v2;
	v2 =	vor.u32 $0x8, v2;
	v1 =	vmul.u32 $0x8, v1;
	s4 =	smax.u32 s4, $0x1;
	s18 =	simm.s32 $0x9900;
	s2 =	simm.s32 $0x1  }
.LBB2_1:
0x17: {  	s0 =	rddreg [dreg:$0x4]  }
0x18: {  	[tilespmem:s3], [sflag:$0x2] =	stream.linear.gather [hbm4b:s0+s3], $0x100, $0x38;
	[tilespmem:$0x10100] =	vst v63  }
0x19: {  	_ =	swait.ge [sflag:s5], $0x100  }
0x1a: {  	[sflag:s5] =	ssyncset.done $0x0  }
0x1b: {  	[sflag:s5] =	ssyncadd.s32 $0xFFFFFF00  }
0x1c: {  	v3 =	vld [tilespmem:$0x0];
	_ =	sdelay $0x4  }
0x1d: {  	v4 =	vshll.u32 v3, $0x1  }
0x1e: {  	v3 =	vand.u32 $0x7, v3;
	v4 =	vand.u32 $0xFFFFFFF0, v4  }
0x1f: {  	v3 =	vor.u32 v3, v4  }
0x20: {  	v4 =	vperm.xlane v3, v0;
	_ =	sdelay $0x1  }
0x21: {  	v3 =	vperm.xlane v3, v2;
	v4 =	vadd.s32 v1, v4;
	_ =	sdelay $0x1  }
0x22: {  	v3 =	vadd.s32 v1, v3;
	_ =	sdelay $0x2  }
0x23: {  	[tilespmem:s6], [sflag:$0x1] =	stream.indirect_vreg.gather [hbm4b:s1+s3], $0x80, v4, vm0, $0xb8;
	[tilespmem:$0x10100] =	vst v63  }
0x24: {  	s7 =	rddreg [dreg:$0x6]  }
0x25: {  	[tilespmem:s7], [sflag:$0x1] =	stream.indirect_vreg.gather [hbm4b:s1+s3], $0x80, v3, vm0, $0xb8;
	[tilespmem:$0x10100] =	vst v63  }
0x26: {  	v3 =	vld [tilespmem:$0x10];
	_ =	sdelay $0x4  }
0x27: {  	v49 =	vshll.u32 v3, $0x1  }
0x28: {  	v3 =	vand.u32 $0x7, v3;
	v4 =	vand.u32 $0xFFFFFFF0, v49  }
0x29: {  	v3 =	vor.u32 v3, v4  }
0x2a: {  	v4 =	vperm.xlane v3, v0;
	_ =	sdelay $0x1  }
0x2b: {  	v3 =	vperm.xlane v3, v2;
	v4 =	vadd.s32 v1, v4;
	_ =	sdelay $0x1  }
0x2c: {  	v3 =	vadd.s32 v1, v3;
	_ =	sdelay $0x1  }
0x2d: {  	s0 =	rddreg [dreg:$0x7]  }
0x2e: {  	[tilespmem:s0], [sflag:$0x1] =	stream.indirect_vreg.gather [hbm4b:s1+s3], $0x80, v4, vm0, $0xb8;
	[tilespmem:$0x10100] =	vst v63  }
0x2f: {  	s7 =	rddreg [dreg:$0x8]  }
0x30: {  	[tilespmem:s7], [sflag:$0x1] =	stream.indirect_vreg.gather [hbm4b:s1+s3], $0x80, v3, vm0, $0xb8;
	[tilespmem:$0x10100] =	vst v63  }
0x31: {  	v3 =	vld [tilespmem:$0x20];
	_ =	sdelay $0x4  }
0x32: {  	v50 =	vshll.u32 v3, $0x1  }
0x33: {  	v3 =	vand.u32 $0x7, v3;
	v4 =	vand.u32 $0xFFFFFFF0, v50  }
0x34: {  	v3 =	vor.u32 v3, v4  }
0x35: {  	v4 =	vperm.xlane v3, v0;
	_ =	sdelay $0x1  }
0x36: {  	v3 =	vperm.xlane v3, v2;
	v4 =	vadd.s32 v1, v4;
	_ =	sdelay $0x1  }
0x37: {  	v3 =	vadd.s32 v1, v3;
	_ =	sdelay $0x1  }
0x38: {  	s0 =	rddreg [dreg:$0x9]  }
0x39: {  	[tilespmem:s0], [sflag:$0x1] =	stream.indirect_vreg.gather [hbm4b:s1+s3], $0x80, v4, vm0, $0xb8;
	[tilespmem:$0x10100] =	vst v63  }
0x3a: {  	s7 =	rddreg [dreg:$0xa]  }
0x3b: {  	[tilespmem:s7], [sflag:$0x1] =	stream.indirect_vreg.gather [hbm4b:s1+s3], $0x80, v3, vm0, $0xb8;
	[tilespmem:$0x10100] =	vst v63  }
0x3c: {  	v3 =	vld [tilespmem:$0x30];
	_ =	sdelay $0x4  }
0x3d: {  	v51 =	vshll.u32 v3, $0x1  }
0x3e: {  	v3 =	vand.u32 $0x7, v3;
	v4 =	vand.u32 $0xFFFFFFF0, v51  }
0x3f: {  	v3 =	vor.u32 v3, v4  }
0x40: {  	v4 =	vperm.xlane v3, v0;
	_ =	sdelay $0x1  }
0x41: {  	v3 =	vperm.xlane v3, v2;
	v4 =	vadd.s32 v1, v4;
	_ =	sdelay $0x1  }
0x42: {  	v3 =	vadd.s32 v1, v3;
	_ =	sdelay $0x1  }
0x43: {  	s0 =	rddreg [dreg:$0xb]  }
0x44: {  	[tilespmem:s0], [sflag:$0x1] =	stream.indirect_vreg.gather [hbm4b:s1+s3], $0x80, v4, vm0, $0xb8;
	[tilespmem:$0x10100] =	vst v63  }
0x45: {  	s7 =	rddreg [dreg:$0xc]  }
0x46: {  	[tilespmem:s7], [sflag:$0x1] =	stream.indirect_vreg.gather [hbm4b:s1+s3], $0x80, v3, vm0, $0xb8;
	[tilespmem:$0x10100] =	vst v63  }
0x47: {  	v3 =	vld [tilespmem:$0x40];
	_ =	sdelay $0x4  }
0x48: {  	v52 =	vshll.u32 v3, $0x1  }
0x49: {  	v3 =	vand.u32 $0x7, v3;
	v4 =	vand.u32 $0xFFFFFFF0, v52  }
0x4a: {  	v3 =	vor.u32 v3, v4  }
0x4b: {  	v4 =	vperm.xlane v3, v0;
	_ =	sdelay $0x1  }
0x4c: {  	v3 =	vperm.xlane v3, v2;
	v4 =	vadd.s32 v1, v4;
	_ =	sdelay $0x1  }
0x4d: {  	v3 =	vadd.s32 v1, v3;
	_ =	sdelay $0x1  }
0x4e: {  	s7 =	simm.s32 $0x4100  }
0x4f: {  	[tilespmem:s7], [sflag:$0x1] =	stream.indirect_vreg.gather [hbm4b:s1+s3], $0x80, v4, vm0, $0xb8;
	[tilespmem:$0x10100] =	vst v63  }
0x50: {  	_ = 	snop  }
0x51: {  	[tilespmem:s8], [sflag:$0x1] =	stream.indirect_vreg.gather [hbm4b:s1+s3], $0x80, v3, vm0, $0xb8;
	[tilespmem:$0x10100] =	vst v63  }
0x52: {  	v3 =	vld [tilespmem:$0x50];
	_ =	sdelay $0x4  }
0x53: {  	v53 =	vshll.u32 v3, $0x1  }
0x54: {  	v3 =	vand.u32 $0x7, v3;
	v4 =	vand.u32 $0xFFFFFFF0, v53  }
0x55: {  	v3 =	vor.u32 v3, v4  }
0x56: {  	v4 =	vperm.xlane v3, v0;
	_ =	sdelay $0x1  }
0x57: {  	v3 =	vperm.xlane v3, v2;
	v4 =	vadd.s32 v1, v4;
	_ =	sdelay $0x1  }
0x58: {  	v3 =	vadd.s32 v1, v3;
	_ =	sdelay $0x2  }
0x59: {  	[tilespmem:s9], [sflag:$0x1] =	stream.indirect_vreg.gather [hbm4b:s1+s3], $0x80, v4, vm0, $0xb8;
	[tilespmem:$0x10100] =	vst v63  }
0x5a: {  	_ = 	snop  }
0x5b: {  	[tilespmem:s10], [sflag:$0x1] =	stream.indirect_vreg.gather [hbm4b:s1+s3], $0x80, v3, vm0, $0xb8;
	[tilespmem:$0x10100] =	vst v63  }
0x5c: {  	v3 =	vld [tilespmem:$0x60];
	_ =	sdelay $0x4  }
0x5d: {  	v54 =	vshll.u32 v3, $0x1  }
0x5e: {  	v3 =	vand.u32 $0x7, v3;
	v4 =	vand.u32 $0xFFFFFFF0, v54  }
0x5f: {  	v3 =	vor.u32 v3, v4  }
0x60: {  	v4 =	vperm.xlane v3, v0;
	_ =	sdelay $0x1  }
0x61: {  	v3 =	vperm.xlane v3, v2;
	v4 =	vadd.s32 v1, v4;
	_ =	sdelay $0x1  }
0x62: {  	v3 =	vadd.s32 v1, v3;
	_ =	sdelay $0x2  }
0x63: {  	[tilespmem:s11], [sflag:$0x1] =	stream.indirect_vreg.gather [hbm4b:s1+s3], $0x80, v4, vm0, $0xb8;
	[tilespmem:$0x10100] =	vst v63  }
0x64: {  	_ = 	snop  }
0x65: {  	[tilespmem:s12], [sflag:$0x1] =	stream.indirect_vreg.gather [hbm4b:s1+s3], $0x80, v3, vm0, $0xb8;
	[tilespmem:$0x10100] =	vst v63  }
0x66: {  	v3 =	vld [tilespmem:$0x70];
	_ =	sdelay $0x4  }
0x67: {  	v55 =	vshll.u32 v3, $0x1  }
0x68: {  	v3 =	vand.u32 $0x7, v3;
	v4 =	vand.u32 $0xFFFFFFF0, v55  }
0x69: {  	v3 =	vor.u32 v3, v4  }
0x6a: {  	v4 =	vperm.xlane v3, v0;
	_ =	sdelay $0x1  }
0x6b: {  	v3 =	vperm.xlane v3, v2;
	v4 =	vadd.s32 v1, v4;
	_ =	sdelay $0x1  }
0x6c: {  	v3 =	vadd.s32 v1, v3;
	_ =	sdelay $0x2  }
0x6d: {  	[tilespmem:s13], [sflag:$0x1] =	stream.indirect_vreg.gather [hbm4b:s1+s3], $0x80, v4, vm0, $0xb8;
	[tilespmem:$0x10100] =	vst v63  }
0x6e: {  	_ = 	snop  }
0x6f: {  	[tilespmem:s14], [sflag:$0x1] =	stream.indirect_vreg.gather [hbm4b:s1+s3], $0x80, v3, vm0, $0xb8;
	[tilespmem:$0x10100] =	vst v63  }
0x70: {  	v3 =	vld [tilespmem:$0x80];
	_ =	sdelay $0x4  }
0x71: {  	v56 =	vshll.u32 v3, $0x1  }
0x72: {  	v3 =	vand.u32 $0x7, v3;
	v4 =	vand.u32 $0xFFFFFFF0, v56  }
0x73: {  	v3 =	vor.u32 v3, v4  }
0x74: {  	v4 =	vperm.xlane v3, v0;
	_ =	sdelay $0x1  }
0x75: {  	v3 =	vperm.xlane v3, v2;
	v4 =	vadd.s32 v1, v4;
	_ =	sdelay $0x1  }
0x76: {  	v3 =	vadd.s32 v1, v3;
	_ =	sdelay $0x2  }
0x77: {  	[tilespmem:s15], [sflag:$0x1] =	stream.indirect_vreg.gather [hbm4b:s1+s3], $0x80, v4, vm0, $0xb8;
	[tilespmem:$0x10100] =	vst v63  }
0x78: {  	_ = 	snop  }
0x79: {  	[tilespmem:s16], [sflag:$0x1] =	stream.indirect_vreg.gather [hbm4b:s1+s3], $0x80, v3, vm0, $0xb8;
	[tilespmem:$0x10100] =	vst v63  }
0x7a: {  	v3 =	vld [tilespmem:$0x90];
	_ =	sdelay $0x4  }
0x7b: {  	v57 =	vshll.u32 v3, $0x1  }
0x7c: {  	v3 =	vand.u32 $0x7, v3;
	v4 =	vand.u32 $0xFFFFFFF0, v57  }
0x7d: {  	v3 =	vor.u32 v3, v4  }
0x7e: {  	v4 =	vperm.xlane v3, v0;
	_ =	sdelay $0x1  }
0x7f: {  	v3 =	vperm.xlane v3, v2;
	v4 =	vadd.s32 v1, v4;
	_ =	sdelay $0x1  }
0x80: {  	v3 =	vadd.s32 v1, v3;
	_ =	sdelay $0x2  }
0x81: {  	[tilespmem:s17], [sflag:$0x1] =	stream.indirect_vreg.gather [hbm4b:s1+s3], $0x80, v4, vm0, $0xb8;
	[tilespmem:$0x10100] =	vst v63  }
0x82: {  	_ = 	snop  }
0x83: {  	[tilespmem:s18], [sflag:$0x1] =	stream.indirect_vreg.gather [hbm4b:s1+s3], $0x80, v3, vm0, $0xb8;
	[tilespmem:$0x10100] =	vst v63  }
0x84: {  	v3 =	vld [tilespmem:$0xA0];
	_ =	sdelay $0x4  }
0x85: {  	v58 =	vshll.u32 v3, $0x1  }
0x86: {  	v3 =	vand.u32 $0x7, v3;
	v4 =	vand.u32 $0xFFFFFFF0, v58  }
0x87: {  	v3 =	vor.u32 v3, v4  }
0x88: {  	v4 =	vperm.xlane v3, v0;
	_ =	sdelay $0x1  }
0x89: {  	v3 =	vperm.xlane v3, v2;
	v4 =	vadd.s32 v1, v4;
	_ =	sdelay $0x1  }
0x8a: {  	v3 =	vadd.s32 v1, v3;
	_ =	sdelay $0x2  }
0x8b: {  	[tilespmem:s19], [sflag:$0x1] =	stream.indirect_vreg.gather [hbm4b:s1+s3], $0x80, v4, vm0, $0xb8;
	[tilespmem:$0x10100] =	vst v63  }
0x8c: {  	_ = 	snop  }
0x8d: {  	[tilespmem:s20], [sflag:$0x1] =	stream.indirect_vreg.gather [hbm4b:s1+s3], $0x80, v3, vm0, $0xb8;
	[tilespmem:$0x10100] =	vst v63  }
0x8e: {  	v3 =	vld [tilespmem:$0xB0];
	_ =	sdelay $0x4  }
0x8f: {  	v59 =	vshll.u32 v3, $0x1  }
0x90: {  	v3 =	vand.u32 $0x7, v3;
	v4 =	vand.u32 $0xFFFFFFF0, v59  }
0x91: {  	v3 =	vor.u32 v3, v4  }
0x92: {  	v4 =	vperm.xlane v3, v0;
	_ =	sdelay $0x1  }
0x93: {  	v3 =	vperm.xlane v3, v2;
	v4 =	vadd.s32 v1, v4;
	_ =	sdelay $0x1  }
0x94: {  	v3 =	vadd.s32 v1, v3;
	_ =	sdelay $0x2  }
0x95: {  	[tilespmem:s21], [sflag:$0x1] =	stream.indirect_vreg.gather [hbm4b:s1+s3], $0x80, v4, vm0, $0xb8;
	[tilespmem:$0x10100] =	vst v63  }
0x96: {  	_ = 	snop  }
0x97: {  	[tilespmem:s22], [sflag:$0x1] =	stream.indirect_vreg.gather [hbm4b:s1+s3], $0x80, v3, vm0, $0xb8;
	[tilespmem:$0x10100] =	vst v63  }
0x98: {  	v3 =	vld [tilespmem:$0xC0];
	_ =	sdelay $0x4  }
0x99: {  	v60 =	vshll.u32 v3, $0x1  }
0x9a: {  	v3 =	vand.u32 $0x7, v3;
	v4 =	vand.u32 $0xFFFFFFF0, v60  }
0x9b: {  	v3 =	vor.u32 v3, v4  }
0x9c: {  	v4 =	vperm.xlane v3, v0;
	_ =	sdelay $0x1  }
0x9d: {  	v3 =	vperm.xlane v3, v2;
	v4 =	vadd.s32 v1, v4;
	_ =	sdelay $0x1  }
0x9e: {  	v3 =	vadd.s32 v1, v3;
	_ =	sdelay $0x2  }
0x9f: {  	[tilespmem:s23], [sflag:$0x1] =	stream.indirect_vreg.gather [hbm4b:s1+s3], $0x80, v4, vm0, $0xb8;
	[tilespmem:$0x10100] =	vst v63  }
0xa0: {  	_ = 	snop  }
0xa1: {  	[tilespmem:s24], [sflag:$0x1] =	stream.indirect_vreg.gather [hbm4b:s1+s3], $0x80, v3, vm0, $0xb8;
	[tilespmem:$0x10100] =	vst v63  }
0xa2: {  	v3 =	vld [tilespmem:$0xD0];
	_ =	sdelay $0x4  }
0xa3: {  	v61 =	vshll.u32 v3, $0x1  }
0xa4: {  	v3 =	vand.u32 $0x7, v3;
	v4 =	vand.u32 $0xFFFFFFF0, v61  }
0xa5: {  	v3 =	vor.u32 v3, v4  }
0xa6: {  	v4 =	vperm.xlane v3, v0;
	_ =	sdelay $0x1  }
0xa7: {  	v3 =	vperm.xlane v3, v2;
	v4 =	vadd.s32 v1, v4;
	_ =	sdelay $0x1  }
0xa8: {  	v3 =	vadd.s32 v1, v3;
	_ =	sdelay $0x2  }
0xa9: {  	[tilespmem:s25], [sflag:$0x1] =	stream.indirect_vreg.gather [hbm4b:s1+s3], $0x80, v4, vm0, $0xb8;
	[tilespmem:$0x10100] =	vst v63  }
0xaa: {  	_ = 	snop  }
0xab: {  	[tilespmem:s26], [sflag:$0x1] =	stream.indirect_vreg.gather [hbm4b:s1+s3], $0x80, v3, vm0, $0xb8;
	[tilespmem:$0x10100] =	vst v63  }
0xac: {  	v3 =	vld [tilespmem:$0xE0];
	_ =	sdelay $0x4  }
0xad: {  	v62 =	vshll.u32 v3, $0x1  }
0xae: {  	v3 =	vand.u32 $0x7, v3;
	v4 =	vand.u32 $0xFFFFFFF0, v62  }
0xaf: {  	v3 =	vor.u32 v3, v4  }
0xb0: {  	v4 =	vperm.xlane v3, v0;
	_ =	sdelay $0x1  }
0xb1: {  	v3 =	vperm.xlane v3, v2;
	v4 =	vadd.s32 v1, v4;
	_ =	sdelay $0x1  }
0xb2: {  	v3 =	vadd.s32 v1, v3;
	_ =	sdelay $0x2  }
0xb3: {  	[tilespmem:s28], [sflag:$0x1] =	stream.indirect_vreg.gather [hbm4b:s1+s3], $0x80, v4, vm0, $0xb8;
	[tilespmem:$0x10100] =	vst v63  }
0xb4: {  	_ = 	snop  }
0xb5: {  	[tilespmem:s29], [sflag:$0x1] =	stream.indirect_vreg.gather [hbm4b:s1+s3], $0x80, v3, vm0, $0xb8;
	[tilespmem:$0x10100] =	vst v63  }
0xb6: {  	v3 =	vld [tilespmem:$0xF0];
	_ =	sdelay $0x4  }
0xb7: {  	v63 =	vshll.u32 v3, $0x1  }
0xb8: {  	v3 =	vand.u32 $0x7, v3;
	v4 =	vand.u32 $0xFFFFFFF0, v63  }
0xb9: {  	v3 =	vor.u32 v3, v4  }
0xba: {  	v4 =	vperm.xlane v3, v0;
	_ =	sdelay $0x1  }
0xbb: {  	v3 =	vperm.xlane v3, v2;
	v4 =	vadd.s32 v1, v4;
	_ =	sdelay $0x1  }
0xbc: {  	v3 =	vadd.s32 v1, v3;
	_ =	sdelay $0x2  }
0xbd: {  	[tilespmem:s30], [sflag:$0x1] =	stream.indirect_vreg.gather [hbm4b:s1+s3], $0x80, v4, vm0, $0xb8;
	[tilespmem:$0x10100] =	vst v63  }
0xbe: {  	_ = 	snop  }
0xbf: {  	[tilespmem:s31], [sflag:$0x1] =	stream.indirect_vreg.gather [hbm4b:s1+s3], $0x80, v3, vm0, $0xb8;
	[tilespmem:$0x10100] =	vst v63  }
0xc0: {  	_ =	swait.ge [sflag:s2], $0x8000  }
0xc1: {  	[sflag:s2] =	ssyncset.done $0x0  }
0xc2: {  	[sflag:s2] =	ssyncadd.s32 $0xFFFF8000  }
0xc3: {  	_ =	swait.ge [sflag:s2], $0x8000  }
0xc4: {  	p0 =	sne.s32 s4, $0x1;
	[sflag:s2] =	ssyncset.done $0x0  }
.Ltmp0:
0xc5: {  	s7 =	rddreg [dreg:$0x5];
	[sflag:s2] =	ssyncadd.s32 $0xFFFF8000;
	(pc) =	sbr.rel @p0 .LBB2_1-.Ltmp0, $4  }
0xc6: {  	[hbm4b:s7+s3] =	stream.linear.scatter [tilespmem:s6], [sflag:$0x2], $0x10000, $0x38;
	[tilespmem:$0x10100] =	vst v63  }
0xc7: {  	_ =	swait.ge [sflag:s5], $0x10000  }
0xc8: {  	[sflag:s5] =	ssyncset.done $0x0  }
0xc9: {  	s4 =	sadd.s32 $0xFFFFFFFF, s4;
	[sflag:s5] =	ssyncadd.s32 $0xFFFF0000  }
0xca: {  	_ =	sfence.sel $0x180000  }
0xcb: {  	[bflag:$0x0] =	sbarrier.arrive $0xFFFF  }
0xcc: {  	_ =	strace $0x90000047  }
0xcd: {  	s0 =	stileid.u32;
	[bflag:$0x2] =	sbarrier.arrive $0xFFFF  }
0xce: {  	p0 =	sne.s32 s0, $0x0;
	s0 =	rddreg [dreg:$0x3]  }
0xcf: {  	s0 =	sadd.s32 @!p0 $0x100000, s0  }
0xd0: {  	[sflag:s0] =	ssyncadd.tile.s32 @!p0 $0x1;
	_ =	shalt  }
.Lfunc_end2:
_tile_overlayer_lowered:
.L_overlay_start_2:
0xd1: {  	(tag) =	ssettag $0x2  }
0xd2: {  	s0 =	rddreg [dreg:$0x0];
	s2 =	stileid.u32  }
0xd3: {  	s1 =	rddreg [dreg:$0x1];
	p0 =	sne.s32 s2, $0x0  }
0xd4: {  	s3 =	rddreg [dreg:$0x2];
	[bflag:$0x3] =	sbarrier.arrive $0xFFFF;
	s2 =	simm.s32 @!p0 $0x1C02  }
0xd5: {  	[timem:s3], [sflag:s2] =	dma.local @!p0 [hbm:s0], s1  }
0xd6: {  	s0 =	simm.s32 @!p0 $0x2  }
0xd7: {  	_ =	swait.ge @!p0 [sflag:s0], s1  }
0xd8: {  	s1 =	ssub.s32 @!p0 $0x0, s1;
	[sflag:s0] =	ssyncset.done @!p0 $0x0  }
0xd9: {  	[sflag:s0] =	ssyncadd.s32 @!p0 s1  }
0xda: {  	[bflag:$0x3] =	sbarrier.arrive $0xFFFF  }
0xdb: {  	_ =	shalt  }

</sc_bundles>
